<compile_context>
chip_gen: v7x
topology: tpu7x:2x2x1
jax: 0.10.2.dev20260603
libtpu: 0.0.44.dev20260713+nightly
codegen_flags: <defaults>
</compile_context>

<pallas_src>
import functools

import jax
import jax.numpy as jnp
from jax import lax
from jax.experimental import pallas as pl
from jax.experimental.pallas import tpu as pltpu
from jax.experimental.pallas import tpu_sc as plsc

N = 10000
D = 128
NP = 10240
K = 32
NCHUNK = 640
GCH = 64
NBUF = 8
EPAD = 16 * NCHUNK * K
RPT = NP // 16

def _deg_body(col_ref, deg_out, deg_sh, colbuf, ones, zbuf):
    c = lax.axis_index("c")
    s = lax.axis_index("s")

    def _zero(i, _):
        zbuf[pl.ds(i * 16, 16)] = jnp.zeros((16,), jnp.float32)
        return 0

    lax.fori_loop(0, RPT // 16, _zero, 0)

    def _one(i, _):
        ones[pl.ds(i * 16, 16)] = jnp.full((16,), 1.0, jnp.float32)
        return 0

    lax.fori_loop(0, K // 16, _one, 0)

    pltpu.sync_copy(zbuf, deg_sh.at[pl.ds(s * RPT, RPT)])
    pltpu.sync_copy(col_ref.at[s, pl.ds(c * (NCHUNK // 2), NCHUNK // 2)],
                    colbuf)
    plsc.subcore_barrier()

    def _scat(j, _):
        pltpu.sync_copy(ones, deg_sh.at[colbuf.at[j]], add=True)
        return 0

    lax.fori_loop(0, NCHUNK // 2, _scat, 0)
    plsc.subcore_barrier()
    pltpu.sync_copy(deg_sh.at[pl.ds(s * RPT, RPT)],
                    deg_out.at[c, pl.ds(s * RPT, RPT)])


@functools.cache
def _deg_call():
    return pl.kernel(
        _deg_body,
        out_type=jax.ShapeDtypeStruct((2, NP), jnp.float32),
        mesh=plsc.VectorSubcoreMesh(core_axis_name="c", subcore_axis_name="s"),
        scratch_types=[
            pltpu.VMEM_SHARED((NP,), jnp.float32),
            pltpu.VMEM((NCHUNK // 2, K), jnp.int32),
            pltpu.VMEM((K,), jnp.float32),
            pltpu.VMEM((RPT,), jnp.float32),
        ],
    )


_BR = 512


def _dense_body(x_ref, wm_ref, wv_ref, bm_ref, bv_ref, deg_ref,
                feats_ref, dinv_ref):
    x = x_ref[...]
    mean = jnp.maximum(
        jnp.dot(x, wm_ref[...], preferred_element_type=jnp.float32)
        + bm_ref[...], 0.0)
    var = jnp.maximum(
        jnp.dot(x, wv_ref[...], preferred_element_type=jnp.float32)
        + bv_ref[...], 0.0)
    att = jnp.exp(-var)
    mean = mean * att
    var = var * (att * att)
    deg = deg_ref[0] + deg_ref[1] + 1.0
    dinv = lax.rsqrt(deg)
    feats_ref[0, :, :] = mean * dinv
    feats_ref[1, :, :] = var * (dinv * dinv)
    dinv_ref[...] = dinv


_dense_call = pl.pallas_call(
    _dense_body,
    grid=(NP // _BR,),
    in_specs=[
        pl.BlockSpec((_BR, D), lambda i: (i, 0)),
        pl.BlockSpec((D, D), lambda i: (0, 0)),
        pl.BlockSpec((D, D), lambda i: (0, 0)),
        pl.BlockSpec((1, D), lambda i: (0, 0)),
        pl.BlockSpec((1, D), lambda i: (0, 0)),
        pl.BlockSpec((2, _BR, 1), lambda i: (0, i, 0)),
    ],
    out_specs=[
        pl.BlockSpec((2, _BR, D), lambda i: (0, i, 0)),
        pl.BlockSpec((_BR, 1), lambda i: (i, 0)),
    ],
    out_shape=[
        jax.ShapeDtypeStruct((2, NP, D), jnp.float32),
        jax.ShapeDtypeStruct((NP, 1), jnp.float32),
    ],
)


def _spmm_body(grow_ref, col_ref, flat_ref, out_ref,
               acc_sh, rowbuf, colbuf, fbufs, gsems, ssems):
    c = lax.axis_index("c")
    s = lax.axis_index("s")
    r0 = s * RPT
    pltpu.sync_copy(flat_ref.at[pl.ds(c * NP + r0, RPT)],
                    acc_sh.at[pl.ds(r0, RPT)])
    plsc.subcore_barrier()

    def _gather(j, b):
        pltpu.async_copy(flat_ref.at[rowbuf.at[j]], fbufs[b], gsems[b])

    def _gwait(b):
        pltpu.make_async_copy(flat_ref.at[pl.ds(0, K)], fbufs[b],
                              gsems[b]).wait()

    def _scatter(j, b):
        pltpu.async_copy(fbufs[b], acc_sh.at[colbuf.at[j]], ssems[b],
                         add=True)

    def _swait(b):
        pltpu.make_async_copy(fbufs[b], acc_sh.at[colbuf.at[0]],
                              ssems[b]).wait()

    def _stage(g, _):
        pltpu.sync_copy(grow_ref.at[c, s, pl.ds(g * GCH, GCH)], rowbuf)
        pltpu.sync_copy(col_ref.at[s, pl.ds(g * GCH, GCH)], colbuf)
        for b in range(NBUF):
            _gather(b, b)

        def _quad(q, _):
            j = NBUF * q
            for b in range(NBUF):
                _gwait(b)
                _scatter(j + b, b)
            for b in range(NBUF):
                _swait(b)

                @pl.when(j + NBUF + b < GCH)
                def _():
                    _gather(j + NBUF + b, b)
            return 0

        lax.fori_loop(0, GCH // NBUF, _quad, 0)
        return 0

    lax.fori_loop(0, NCHUNK // GCH, _stage, 0)
    plsc.subcore_barrier()
    pltpu.sync_copy(acc_sh.at[pl.ds(r0, RPT)], out_ref.at[c, pl.ds(r0, RPT)])


@functools.cache
def _spmm_call():
    return pl.kernel(
        _spmm_body,
        out_type=jax.ShapeDtypeStruct((2, NP, D), jnp.float32),
        mesh=plsc.VectorSubcoreMesh(core_axis_name="c", subcore_axis_name="s"),
        scratch_types=[
            pltpu.VMEM_SHARED((NP, D), jnp.float32),
            pltpu.VMEM((GCH, K), jnp.int32),
            pltpu.VMEM((GCH, K), jnp.int32),
            [pltpu.VMEM((K, D), jnp.float32)] * NBUF,
            [pltpu.SemaphoreType.DMA] * NBUF,
            [pltpu.SemaphoreType.DMA] * NBUF,
        ],
    )


_BD = 1000


def _scale_body(acc_ref, dinv_ref, mo_ref, vo_ref):
    dinv = dinv_ref[...]
    mo_ref[...] = acc_ref[0] * dinv
    vo_ref[...] = acc_ref[1] * (dinv * dinv)


_scale_call = pl.pallas_call(
    _scale_body,
    grid=(N // _BD,),
    in_specs=[
        pl.BlockSpec((2, _BD, D), lambda i: (0, i, 0)),
        pl.BlockSpec((_BD, 1), lambda i: (i, 0)),
    ],
    out_specs=[
        pl.BlockSpec((_BD, D), lambda i: (i, 0)),
        pl.BlockSpec((_BD, D), lambda i: (i, 0)),
    ],
    out_shape=[
        jax.ShapeDtypeStruct((N, D), jnp.float32),
        jax.ShapeDtypeStruct((N, D), jnp.float32),
    ],
)


def kernel(x, edge_index, W_mean, W_var, bias_mean, bias_var):
    row = edge_index[0]
    col = edge_index[1]
    pad = EPAD - row.shape[0]
    row_p = jnp.concatenate([row, jnp.zeros((pad,), jnp.int32)])
    col_p = jnp.concatenate([col, jnp.full((pad,), N, jnp.int32)])
    col_r = col_p.reshape(16, NCHUNK, K)
    grow = jnp.concatenate([row_p, row_p + NP]).reshape(2, 16, NCHUNK, K)

    degp = _deg_call()(col_r)

    x_p = jnp.pad(x, ((0, NP - N), (0, 0)))
    feats2, dinv = _dense_call(
        x_p, W_mean, W_var,
        bias_mean.reshape(1, D), bias_var.reshape(1, D),
        degp.reshape(2, NP, 1))

    flat = feats2.reshape(2 * NP, D)
    acc = _spmm_call()(grow, col_r, flat)

    mean_out, var_out = _scale_call(acc, dinv)
    return (mean_out, var_out)

# --- scband reference (transcript-rebuilt; emitter-appended) ---
"""Pipeline reference for scband-robust-conv-51505247814292 (READ-ONLY COPY).

The authoritative reference and input builder live on the scoring server;
editing this copy changes nothing except your own understanding.
"""

import jax, jax.numpy as jnp
import numpy as np

N = 10000
E = 320000
D = 128
C = 128
GAMMA = 1.0


def _glorot(key, shape):
    a = float(np.sqrt(6.0 / (shape[0] + shape[1])))
    return jax.random.uniform(key, shape, jnp.float32, -a, a)


def setup_inputs(seed: int = 0) -> dict:
    key = jax.random.key(seed)
    k1, k2, k3, k4 = jax.random.split(key, 4)
    x = jax.random.normal(k1, (N, D), dtype=jnp.float32)
    edge_index = jax.random.randint(k2, (2, E), 0, N, dtype=jnp.int32)
    W_mean = _glorot(k3, (D, C))
    W_var = _glorot(k4, (D, C))
    bias_mean = jnp.zeros((C,), jnp.float32)
    bias_var = jnp.zeros((C,), jnp.float32)
    return {"x": x, "edge_index": edge_index, "W_mean": W_mean, "W_var": W_var, "bias_mean": bias_mean, "bias_var": bias_var}


def reference(x, edge_index, W_mean, W_var, bias_mean, bias_var):
    # linear mean / var branches
    mean = jax.nn.relu(x @ W_mean + bias_mean)
    var = jax.nn.relu(x @ W_var + bias_var)
    # attention on variance
    attention = jnp.exp(-GAMMA * var)
    mean = mean * attention
    var = var * attention * attention
    # gcn_norm with added self-loops
    row = edge_index[0]
    col = edge_index[1]
    loop = jnp.arange(N, dtype=edge_index.dtype)
    row = jnp.concatenate([row, loop])
    col = jnp.concatenate([col, loop])
    w = jnp.ones((row.shape[0],), jnp.float32)
    deg = jax.ops.segment_sum(w, col, num_segments=N)
    dinv = jnp.where(deg > 0, deg ** -0.5, 0.0)
    norm = dinv[row] * w * dinv[col]
    # spmm: out[col] += norm * feat[row]  (mean uses norm, var uses norm^2)
    mean_out = jax.ops.segment_sum(norm[:, None] * mean[row], col, num_segments=N)
    var_out = jax.ops.segment_sum((norm * norm)[:, None] * var[row], col, num_segments=N)
    return (mean_out, var_out)

if __name__ == "__main__":
    import jax
    _d = setup_inputs()
    print(jax.jit(kernel)(*tuple(_d.values())))

</pallas_src>

<mosaic_0001>
#map = affine_map<(d0, d1) -> (0, 0, 0, 0)>
#map1 = affine_map<(d0, d1) -> (0, 0, 0)>
#map2 = affine_map<(d0, d1) -> (0, 0)>
module attributes {stable_mosaic.version = 14 : i64} {
  func.func @_spmm_body(%arg0: i32, %arg1: i32, %arg2: memref<2x16x640x32xi32, #tpu.memory_space<hbm>>, %arg3: memref<16x640x32xi32, #tpu.memory_space<hbm>>, %arg4: memref<20480x128xf32, #tpu.memory_space<hbm>>, %arg5: memref<2x10240x128xf32, #tpu.memory_space<hbm>>, %arg6: memref<10240x128xf32, #tpu.memory_space<vmem_shared>>, %arg7: memref<64x32xi32, #tpu.memory_space<vmem>>, %arg8: memref<64x32xi32, #tpu.memory_space<vmem>>, %arg9: memref<32x128xf32, #tpu.memory_space<vmem>>, %arg10: memref<32x128xf32, #tpu.memory_space<vmem>>, %arg11: memref<32x128xf32, #tpu.memory_space<vmem>>, %arg12: memref<32x128xf32, #tpu.memory_space<vmem>>, %arg13: memref<32x128xf32, #tpu.memory_space<vmem>>, %arg14: memref<32x128xf32, #tpu.memory_space<vmem>>, %arg15: memref<32x128xf32, #tpu.memory_space<vmem>>, %arg16: memref<32x128xf32, #tpu.memory_space<vmem>>, %arg17: memref<!tpu.dma_semaphore, #tpu.memory_space<semaphore_mem>>, %arg18: memref<!tpu.dma_semaphore, #tpu.memory_space<semaphore_mem>>, %arg19: memref<!tpu.dma_semaphore, #tpu.memory_space<semaphore_mem>>, %arg20: memref<!tpu.dma_semaphore, #tpu.memory_space<semaphore_mem>>, %arg21: memref<!tpu.dma_semaphore, #tpu.memory_space<semaphore_mem>>, %arg22: memref<!tpu.dma_semaphore, #tpu.memory_space<semaphore_mem>>, %arg23: memref<!tpu.dma_semaphore, #tpu.memory_space<semaphore_mem>>, %arg24: memref<!tpu.dma_semaphore, #tpu.memory_space<semaphore_mem>>, %arg25: memref<!tpu.dma_semaphore, #tpu.memory_space<semaphore_mem>>, %arg26: memref<!tpu.dma_semaphore, #tpu.memory_space<semaphore_mem>>, %arg27: memref<!tpu.dma_semaphore, #tpu.memory_space<semaphore_mem>>, %arg28: memref<!tpu.dma_semaphore, #tpu.memory_space<semaphore_mem>>, %arg29: memref<!tpu.dma_semaphore, #tpu.memory_space<semaphore_mem>>, %arg30: memref<!tpu.dma_semaphore, #tpu.memory_space<semaphore_mem>>, %arg31: memref<!tpu.dma_semaphore, #tpu.memory_space<semaphore_mem>>, %arg32: memref<!tpu.dma_semaphore, #tpu.memory_space<semaphore_mem>>) attributes {dimension_semantics = [#tpu.dimension_semantics<core_parallel>, #tpu.dimension_semantics<subcore_parallel>], iteration_bounds = array<i64: 2, 16>, scalar_prefetch = 0 : i64, scratch_operands = 27 : i64, tpu.core_type = #tpu.core_type<sc_vector_subcore>, window_params = [{transform_indices = #map}, {transform_indices = #map1}, {transform_indices = #map2}, {transform_indices = #map1}]} {
    %mul3A = arith.constant 640 : i32
    %mul3A_0 = arith.muli %arg1, %mul3A : i32
    %mul3A_1 = arith.constant 10240 : i32
    %mul3A_2 = arith.muli %arg0, %mul3A_1 : i32
    %add3A = arith.addi %mul3A_2, %mul3A_0 : i32
    "tpu.region"() ({
      %run_scoped3A = tpu.sem_alloc : memref<!tpu.dma_semaphore, #tpu.memory_space<semaphore_mem>>
      %dma_start3A = arith.constant 0 : i32
      %dma_start3A_10 = tpu.memref_slice %arg6[%mul3A_0, %dma_start3A] : memref<10240x128xf32, #tpu.memory_space<vmem_shared>> -> memref<640x128xf32, #tpu.memory_space<vmem_shared>>
      %dma_start3A_11 = arith.constant 0 : i32
      %dma_start3A_12 = tpu.memref_slice %arg4[%add3A, %dma_start3A_11] : memref<20480x128xf32, #tpu.memory_space<hbm>> -> memref<640x128xf32, #tpu.memory_space<hbm>>
      tpu.enqueue_dma source(%dma_start3A_12 : memref<640x128xf32, #tpu.memory_space<hbm>>) target(%dma_start3A_10 : memref<640x128xf32, #tpu.memory_space<vmem_shared>>) target_semaphore(%run_scoped3A : memref<!tpu.dma_semaphore, #tpu.memory_space<semaphore_mem>>)
      %dma_wait3A = arith.constant 0 : i32
      %dma_wait3A_13 = tpu.memref_slice %arg6[%mul3A_0, %dma_wait3A] : memref<10240x128xf32, #tpu.memory_space<vmem_shared>> -> memref<640x128xf32, #tpu.memory_space<vmem_shared>>
      %dma_wait3A_14 = arith.constant 0 : i32
      %dma_wait3A_15 = tpu.memref_slice %arg4[%add3A, %dma_wait3A_14] : memref<20480x128xf32, #tpu.memory_space<hbm>> -> memref<640x128xf32, #tpu.memory_space<hbm>>
      tpu.wait_dma2 semaphore(%run_scoped3A : memref<!tpu.dma_semaphore, #tpu.memory_space<semaphore_mem>>) src(%dma_wait3A_15 : memref<640x128xf32, #tpu.memory_space<hbm>>) dst(%dma_wait3A_13 : memref<640x128xf32, #tpu.memory_space<vmem_shared>>)
      tpu.yield
    }) : () -> ()
    %barrier3A = arith.constant 0 : index
    tpu.barrier barrier_id(%barrier3A)
    %scan3A = arith.constant 0 : i32
    %scan3A_3 = arith.constant 0 : i32
    %scan3A_4 = arith.constant 10 : i32
    %scan3A_5 = arith.addi %scan3A_3, %scan3A_4 : i32
    %scan3A_6 = arith.constant 1 : i32
    %scan3A_7 = scf.for %scan3A_10 = %scan3A_3 to %scan3A_5 step %scan3A_6 iter_args(%scan3A_11 = %scan3A) -> (i32)  : i32 {
      %mul3A_12 = arith.constant 64 : i32
      %mul3A_13 = arith.muli %scan3A_10, %mul3A_12 : i32
      "tpu.region"() ({
        %run_scoped3A = tpu.sem_alloc : memref<!tpu.dma_semaphore, #tpu.memory_space<semaphore_mem>>
        %dma_start3A_79 = arith.constant 0 : i32
        %dma_start3A_80 = tpu.memref_slice %arg2[%arg0, %arg1, %mul3A_13, %dma_start3A_79] : memref<2x16x640x32xi32, #tpu.memory_space<hbm>> -> memref<1x1x64x32xi32, #tpu.memory_space<hbm>>
        %dma_start3A_81 = tpu.memref_squeeze %dma_start3A_80 : memref<1x1x64x32xi32, #tpu.memory_space<hbm>> -> memref<64x32xi32, #tpu.memory_space<hbm>>
        %dma_start3A_82 = arith.constant 0 : i32
        %dma_start3A_83 = tpu.memref_slice %arg2[%arg0, %arg1, %mul3A_13, %dma_start3A_82] : memref<2x16x640x32xi32, #tpu.memory_space<hbm>> -> memref<1x1x64x32xi32, #tpu.memory_space<hbm>>
        %dma_start3A_84 = tpu.memref_squeeze %dma_start3A_83 : memref<1x1x64x32xi32, #tpu.memory_space<hbm>> -> memref<64x32xi32, #tpu.memory_space<hbm>>
        tpu.enqueue_dma source(%dma_start3A_84 : memref<64x32xi32, #tpu.memory_space<hbm>>) target(%arg7 : memref<64x32xi32, #tpu.memory_space<vmem>>) target_semaphore(%run_scoped3A : memref<!tpu.dma_semaphore, #tpu.memory_space<semaphore_mem>>)
        %dma_wait3A = arith.constant 0 : i32
        %dma_wait3A_85 = tpu.memref_slice %arg2[%arg0, %arg1, %mul3A_13, %dma_wait3A] : memref<2x16x640x32xi32, #tpu.memory_space<hbm>> -> memref<1x1x64x32xi32, #tpu.memory_space<hbm>>
        %dma_wait3A_86 = tpu.memref_squeeze %dma_wait3A_85 : memref<1x1x64x32xi32, #tpu.memory_space<hbm>> -> memref<64x32xi32, #tpu.memory_space<hbm>>
        %dma_wait3A_87 = arith.constant 0 : i32
        %dma_wait3A_88 = tpu.memref_slice %arg2[%arg0, %arg1, %mul3A_13, %dma_wait3A_87] : memref<2x16x640x32xi32, #tpu.memory_space<hbm>> -> memref<1x1x64x32xi32, #tpu.memory_space<hbm>>
        %dma_wait3A_89 = tpu.memref_squeeze %dma_wait3A_88 : memref<1x1x64x32xi32, #tpu.memory_space<hbm>> -> memref<64x32xi32, #tpu.memory_space<hbm>>
        tpu.wait_dma2 semaphore(%run_scoped3A : memref<!tpu.dma_semaphore, #tpu.memory_space<semaphore_mem>>) src(%dma_wait3A_89 : memref<64x32xi32, #tpu.memory_space<hbm>>) dst(%arg7 : memref<64x32xi32, #tpu.memory_space<vmem>>)
        tpu.yield
      }) : () -> ()
      %mul3A_14 = arith.constant 64 : i32
      %mul3A_15 = arith.muli %scan3A_10, %mul3A_14 : i32
      "tpu.region"() ({
        %run_scoped3A = tpu.sem_alloc : memref<!tpu.dma_semaphore, #tpu.memory_space<semaphore_mem>>
        %dma_start3A_79 = arith.constant 0 : i32
        %dma_start3A_80 = tpu.memref_slice %arg3[%arg1, %mul3A_15, %dma_start3A_79] : memref<16x640x32xi32, #tpu.memory_space<hbm>> -> memref<1x64x32xi32, #tpu.memory_space<hbm>>
        %dma_start3A_81 = tpu.memref_squeeze %dma_start3A_80 : memref<1x64x32xi32, #tpu.memory_space<hbm>> -> memref<64x32xi32, #tpu.memory_space<hbm>>
        %dma_start3A_82 = arith.constant 0 : i32
        %dma_start3A_83 = tpu.memref_slice %arg3[%arg1, %mul3A_15, %dma_start3A_82] : memref<16x640x32xi32, #tpu.memory_space<hbm>> -> memref<1x64x32xi32, #tpu.memory_space<hbm>>
        %dma_start3A_84 = tpu.memref_squeeze %dma_start3A_83 : memref<1x64x32xi32, #tpu.memory_space<hbm>> -> memref<64x32xi32, #tpu.memory_space<hbm>>
        tpu.enqueue_dma source(%dma_start3A_84 : memref<64x32xi32, #tpu.memory_space<hbm>>) target(%arg8 : memref<64x32xi32, #tpu.memory_space<vmem>>) target_semaphore(%run_scoped3A : memref<!tpu.dma_semaphore, #tpu.memory_space<semaphore_mem>>)
        %dma_wait3A = arith.constant 0 : i32
        %dma_wait3A_85 = tpu.memref_slice %arg3[%arg1, %mul3A_15, %dma_wait3A] : memref<16x640x32xi32, #tpu.memory_space<hbm>> -> memref<1x64x32xi32, #tpu.memory_space<hbm>>
        %dma_wait3A_86 = tpu.memref_squeeze %dma_wait3A_85 : memref<1x64x32xi32, #tpu.memory_space<hbm>> -> memref<64x32xi32, #tpu.memory_space<hbm>>
        %dma_wait3A_87 = arith.constant 0 : i32
        %dma_wait3A_88 = tpu.memref_slice %arg3[%arg1, %mul3A_15, %dma_wait3A_87] : memref<16x640x32xi32, #tpu.memory_space<hbm>> -> memref<1x64x32xi32, #tpu.memory_space<hbm>>
        %dma_wait3A_89 = tpu.memref_squeeze %dma_wait3A_88 : memref<1x64x32xi32, #tpu.memory_space<hbm>> -> memref<64x32xi32, #tpu.memory_space<hbm>>
        tpu.wait_dma2 semaphore(%run_scoped3A : memref<!tpu.dma_semaphore, #tpu.memory_space<semaphore_mem>>) src(%dma_wait3A_89 : memref<64x32xi32, #tpu.memory_space<hbm>>) dst(%arg8 : memref<64x32xi32, #tpu.memory_space<vmem>>)
        tpu.yield
      }) : () -> ()
      %dma_start3A = arith.constant 0 : i32
      %dma_start3A_16 = arith.constant 0 : i32
      %dma_start3A_17 = tpu.memref_slice %arg7[%dma_start3A, %dma_start3A_16] : memref<64x32xi32, #tpu.memory_space<vmem>> -> memref<1x32xi32, #tpu.memory_space<vmem>>
      %dma_start3A_18 = tpu.memref_squeeze %dma_start3A_17 : memref<1x32xi32, #tpu.memory_space<vmem>> -> memref<32xi32, #tpu.memory_space<vmem>>
      %dma_start3A_19 = arith.constant 0 : i32
      %dma_start3A_20 = arith.constant 0 : i32
      %dma_start3A_21 = tpu.memref_slice %arg4[%dma_start3A_19, %dma_start3A_20] : memref<20480x128xf32, #tpu.memory_space<hbm>> -> memref<20480x128xf32, #tpu.memory_space<hbm>>
      tpu.enqueue_indirect_dma source(%dma_start3A_21 : memref<20480x128xf32, #tpu.memory_space<hbm>>) target(%arg9 : memref<32x128xf32, #tpu.memory_space<vmem>>) offsets(%dma_start3A_18 : memref<32xi32, #tpu.memory_space<vmem>>) semaphore(%arg17 : memref<!tpu.dma_semaphore, #tpu.memory_space<semaphore_mem>>)
      %dma_start3A_22 = arith.constant 1 : i32
      %dma_start3A_23 = arith.constant 0 : i32
      %dma_start3A_24 = tpu.memref_slice %arg7[%dma_start3A_22, %dma_start3A_23] : memref<64x32xi32, #tpu.memory_space<vmem>> -> memref<1x32xi32, #tpu.memory_space<vmem>>
      %dma_start3A_25 = tpu.memref_squeeze %dma_start3A_24 : memref<1x32xi32, #tpu.memory_space<vmem>> -> memref<32xi32, #tpu.memory_space<vmem>>
      %dma_start3A_26 = arith.constant 0 : i32
      %dma_start3A_27 = arith.constant 0 : i32
      %dma_start3A_28 = tpu.memref_slice %arg4[%dma_start3A_26, %dma_start3A_27] : memref<20480x128xf32, #tpu.memory_space<hbm>> -> memref<20480x128xf32, #tpu.memory_space<hbm>>
      tpu.enqueue_indirect_dma source(%dma_start3A_28 : memref<20480x128xf32, #tpu.memory_space<hbm>>) target(%arg10 : memref<32x128xf32, #tpu.memory_space<vmem>>) offsets(%dma_start3A_25 : memref<32xi32, #tpu.memory_space<vmem>>) semaphore(%arg18 : memref<!tpu.dma_semaphore, #tpu.memory_space<semaphore_mem>>)
      %dma_start3A_29 = arith.constant 2 : i32
      %dma_start3A_30 = arith.constant 0 : i32
      %dma_start3A_31 = tpu.memref_slice %arg7[%dma_start3A_29, %dma_start3A_30] : memref<64x32xi32, #tpu.memory_space<vmem>> -> memref<1x32xi32, #tpu.memory_space<vmem>>
      %dma_start3A_32 = tpu.memref_squeeze %dma_start3A_31 : memref<1x32xi32, #tpu.memory_space<vmem>> -> memref<32xi32, #tpu.memory_space<vmem>>
      %dma_start3A_33 = arith.constant 0 : i32
      %dma_start3A_34 = arith.constant 0 : i32
      %dma_start3A_35 = tpu.memref_slice %arg4[%dma_start3A_33, %dma_start3A_34] : memref<20480x128xf32, #tpu.memory_space<hbm>> -> memref<20480x128xf32, #tpu.memory_space<hbm>>
      tpu.enqueue_indirect_dma source(%dma_start3A_35 : memref<20480x128xf32, #tpu.memory_space<hbm>>) target(%arg11 : memref<32x128xf32, #tpu.memory_space<vmem>>) offsets(%dma_start3A_32 : memref<32xi32, #tpu.memory_space<vmem>>) semaphore(%arg19 : memref<!tpu.dma_semaphore, #tpu.memory_space<semaphore_mem>>)
      %dma_start3A_36 = arith.constant 3 : i32
      %dma_start3A_37 = arith.constant 0 : i32
      %dma_start3A_38 = tpu.memref_slice %arg7[%dma_start3A_36, %dma_start3A_37] : memref<64x32xi32, #tpu.memory_space<vmem>> -> memref<1x32xi32, #tpu.memory_space<vmem>>
      %dma_start3A_39 = tpu.memref_squeeze %dma_start3A_38 : memref<1x32xi32, #tpu.memory_space<vmem>> -> memref<32xi32, #tpu.memory_space<vmem>>
      %dma_start3A_40 = arith.constant 0 : i32
      %dma_start3A_41 = arith.constant 0 : i32
      %dma_start3A_42 = tpu.memref_slice %arg4[%dma_start3A_40, %dma_start3A_41] : memref<20480x128xf32, #tpu.memory_space<hbm>> -> memref<20480x128xf32, #tpu.memory_space<hbm>>
      tpu.enqueue_indirect_dma source(%dma_start3A_42 : memref<20480x128xf32, #tpu.memory_space<hbm>>) target(%arg12 : memref<32x128xf32, #tpu.memory_space<vmem>>) offsets(%dma_start3A_39 : memref<32xi32, #tpu.memory_space<vmem>>) semaphore(%arg20 : memref<!tpu.dma_semaphore, #tpu.memory_space<semaphore_mem>>)
      %dma_start3A_43 = arith.constant 4 : i32
      %dma_start3A_44 = arith.constant 0 : i32
      %dma_start3A_45 = tpu.memref_slice %arg7[%dma_start3A_43, %dma_start3A_44] : memref<64x32xi32, #tpu.memory_space<vmem>> -> memref<1x32xi32, #tpu.memory_space<vmem>>
      %dma_start3A_46 = tpu.memref_squeeze %dma_start3A_45 : memref<1x32xi32, #tpu.memory_space<vmem>> -> memref<32xi32, #tpu.memory_space<vmem>>
      %dma_start3A_47 = arith.constant 0 : i32
      %dma_start3A_48 = arith.constant 0 : i32
      %dma_start3A_49 = tpu.memref_slice %arg4[%dma_start3A_47, %dma_start3A_48] : memref<20480x128xf32, #tpu.memory_space<hbm>> -> memref<20480x128xf32, #tpu.memory_space<hbm>>
      tpu.enqueue_indirect_dma source(%dma_start3A_49 : memref<20480x128xf32, #tpu.memory_space<hbm>>) target(%arg13 : memref<32x128xf32, #tpu.memory_space<vmem>>) offsets(%dma_start3A_46 : memref<32xi32, #tpu.memory_space<vmem>>) semaphore(%arg21 : memref<!tpu.dma_semaphore, #tpu.memory_space<semaphore_mem>>)
      %dma_start3A_50 = arith.constant 5 : i32
      %dma_start3A_51 = arith.constant 0 : i32
      %dma_start3A_52 = tpu.memref_slice %arg7[%dma_start3A_50, %dma_start3A_51] : memref<64x32xi32, #tpu.memory_space<vmem>> -> memref<1x32xi32, #tpu.memory_space<vmem>>
      %dma_start3A_53 = tpu.memref_squeeze %dma_start3A_52 : memref<1x32xi32, #tpu.memory_space<vmem>> -> memref<32xi32, #tpu.memory_space<vmem>>
      %dma_start3A_54 = arith.constant 0 : i32
      %dma_start3A_55 = arith.constant 0 : i32
      %dma_start3A_56 = tpu.memref_slice %arg4[%dma_start3A_54, %dma_start3A_55] : memref<20480x128xf32, #tpu.memory_space<hbm>> -> memref<20480x128xf32, #tpu.memory_space<hbm>>
      tpu.enqueue_indirect_dma source(%dma_start3A_56 : memref<20480x128xf32, #tpu.memory_space<hbm>>) target(%arg14 : memref<32x128xf32, #tpu.memory_space<vmem>>) offsets(%dma_start3A_53 : memref<32xi32, #tpu.memory_space<vmem>>) semaphore(%arg22 : memref<!tpu.dma_semaphore, #tpu.memory_space<semaphore_mem>>)
      %dma_start3A_57 = arith.constant 6 : i32
      %dma_start3A_58 = arith.constant 0 : i32
      %dma_start3A_59 = tpu.memref_slice %arg7[%dma_start3A_57, %dma_start3A_58] : memref<64x32xi32, #tpu.memory_space<vmem>> -> memref<1x32xi32, #tpu.memory_space<vmem>>
      %dma_start3A_60 = tpu.memref_squeeze %dma_start3A_59 : memref<1x32xi32, #tpu.memory_space<vmem>> -> memref<32xi32, #tpu.memory_space<vmem>>
      %dma_start3A_61 = arith.constant 0 : i32
      %dma_start3A_62 = arith.constant 0 : i32
      %dma_start3A_63 = tpu.memref_slice %arg4[%dma_start3A_61, %dma_start3A_62] : memref<20480x128xf32, #tpu.memory_space<hbm>> -> memref<20480x128xf32, #tpu.memory_space<hbm>>
      tpu.enqueue_indirect_dma source(%dma_start3A_63 : memref<20480x128xf32, #tpu.memory_space<hbm>>) target(%arg15 : memref<32x128xf32, #tpu.memory_space<vmem>>) offsets(%dma_start3A_60 : memref<32xi32, #tpu.memory_space<vmem>>) semaphore(%arg23 : memref<!tpu.dma_semaphore, #tpu.memory_space<semaphore_mem>>)
      %dma_start3A_64 = arith.constant 7 : i32
      %dma_start3A_65 = arith.constant 0 : i32
      %dma_start3A_66 = tpu.memref_slice %arg7[%dma_start3A_64, %dma_start3A_65] : memref<64x32xi32, #tpu.memory_space<vmem>> -> memref<1x32xi32, #tpu.memory_space<vmem>>
      %dma_start3A_67 = tpu.memref_squeeze %dma_start3A_66 : memref<1x32xi32, #tpu.memory_space<vmem>> -> memref<32xi32, #tpu.memory_space<vmem>>
      %dma_start3A_68 = arith.constant 0 : i32
      %dma_start3A_69 = arith.constant 0 : i32
      %dma_start3A_70 = tpu.memref_slice %arg4[%dma_start3A_68, %dma_start3A_69] : memref<20480x128xf32, #tpu.memory_space<hbm>> -> memref<20480x128xf32, #tpu.memory_space<hbm>>
      tpu.enqueue_indirect_dma source(%dma_start3A_70 : memref<20480x128xf32, #tpu.memory_space<hbm>>) target(%arg16 : memref<32x128xf32, #tpu.memory_space<vmem>>) offsets(%dma_start3A_67 : memref<32xi32, #tpu.memory_space<vmem>>) semaphore(%arg24 : memref<!tpu.dma_semaphore, #tpu.memory_space<semaphore_mem>>)
      %scan3A_71 = arith.constant 0 : i32
      %scan3A_72 = arith.constant 0 : i32
      %scan3A_73 = arith.constant 8 : i32
      %scan3A_74 = arith.addi %scan3A_72, %scan3A_73 : i32
      %scan3A_75 = arith.constant 1 : i32
      %scan3A_76 = scf.for %scan3A_79 = %scan3A_72 to %scan3A_74 step %scan3A_75 iter_args(%scan3A_80 = %scan3A_71) -> (i32)  : i32 {
        %mul3A_81 = arith.constant 8 : i32
        %mul3A_82 = arith.muli %mul3A_81, %scan3A_79 : i32
        %dma_wait3A = arith.constant 0 : i32
        %dma_wait3A_83 = arith.constant 0 : i32
        %dma_wait3A_84 = tpu.memref_slice %arg4[%dma_wait3A, %dma_wait3A_83] : memref<20480x128xf32, #tpu.memory_space<hbm>> -> memref<32x128xf32, #tpu.memory_space<hbm>>
        %dma_wait3A_85 = arith.constant 0 : i32
        %dma_wait3A_86 = arith.constant 0 : i32
        %dma_wait3A_87 = tpu.memref_slice %arg4[%dma_wait3A_85, %dma_wait3A_86] : memref<20480x128xf32, #tpu.memory_space<hbm>> -> memref<32x128xf32, #tpu.memory_space<hbm>>
        tpu.wait_dma2 semaphore(%arg17 : memref<!tpu.dma_semaphore, #tpu.memory_space<semaphore_mem>>) src(%dma_wait3A_87 : memref<32x128xf32, #tpu.memory_space<hbm>>) dst(%arg9 : memref<32x128xf32, #tpu.memory_space<vmem>>)
        %add3A_88 = arith.constant 0 : i32
        %add3A_89 = arith.addi %mul3A_82, %add3A_88 : i32
        %dma_start3A_90 = arith.constant 0 : i32
        %dma_start3A_91 = tpu.memref_slice %arg8[%add3A_89, %dma_start3A_90] : memref<64x32xi32, #tpu.memory_space<vmem>> -> memref<1x32xi32, #tpu.memory_space<vmem>>
        %dma_start3A_92 = tpu.memref_squeeze %dma_start3A_91 : memref<1x32xi32, #tpu.memory_space<vmem>> -> memref<32xi32, #tpu.memory_space<vmem>>
        %dma_start3A_93 = arith.constant 0 : i32
        %dma_start3A_94 = arith.constant 0 : i32
        %dma_start3A_95 = tpu.memref_slice %arg6[%dma_start3A_93, %dma_start3A_94] : memref<10240x128xf32, #tpu.memory_space<vmem_shared>> -> memref<10240x128xf32, #tpu.memory_space<vmem_shared>>
        tpu.enqueue_indirect_dma source(%arg9 : memref<32x128xf32, #tpu.memory_space<vmem>>) target(%dma_start3A_95 : memref<10240x128xf32, #tpu.memory_space<vmem_shared>>) offsets(%dma_start3A_92 : memref<32xi32, #tpu.memory_space<vmem>>) semaphore(%arg25 : memref<!tpu.dma_semaphore, #tpu.memory_space<semaphore_mem>>) {add = true}
        %dma_wait3A_96 = arith.constant 0 : i32
        %dma_wait3A_97 = arith.constant 0 : i32
        %dma_wait3A_98 = tpu.memref_slice %arg4[%dma_wait3A_96, %dma_wait3A_97] : memref<20480x128xf32, #tpu.memory_space<hbm>> -> memref<32x128xf32, #tpu.memory_space<hbm>>
        %dma_wait3A_99 = arith.constant 0 : i32
        %dma_wait3A_100 = arith.constant 0 : i32
        %dma_wait3A_101 = tpu.memref_slice %arg4[%dma_wait3A_99, %dma_wait3A_100] : memref<20480x128xf32, #tpu.memory_space<hbm>> -> memref<32x128xf32, #tpu.memory_space<hbm>>
        tpu.wait_dma2 semaphore(%arg18 : memref<!tpu.dma_semaphore, #tpu.memory_space<semaphore_mem>>) src(%dma_wait3A_101 : memref<32x128xf32, #tpu.memory_space<hbm>>) dst(%arg10 : memref<32x128xf32, #tpu.memory_space<vmem>>)
        %add3A_102 = arith.constant 1 : i32
        %add3A_103 = arith.addi %mul3A_82, %add3A_102 : i32
        %dma_start3A_104 = arith.constant 0 : i32
        %dma_start3A_105 = tpu.memref_slice %arg8[%add3A_103, %dma_start3A_104] : memref<64x32xi32, #tpu.memory_space<vmem>> -> memref<1x32xi32, #tpu.memory_space<vmem>>
        %dma_start3A_106 = tpu.memref_squeeze %dma_start3A_105 : memref<1x32xi32, #tpu.memory_space<vmem>> -> memref<32xi32, #tpu.memory_space<vmem>>
        %dma_start3A_107 = arith.constant 0 : i32
        %dma_start3A_108 = arith.constant 0 : i32
        %dma_start3A_109 = tpu.memref_slice %arg6[%dma_start3A_107, %dma_start3A_108] : memref<10240x128xf32, #tpu.memory_space<vmem_shared>> -> memref<10240x128xf32, #tpu.memory_space<vmem_shared>>
        tpu.enqueue_indirect_dma source(%arg10 : memref<32x128xf32, #tpu.memory_space<vmem>>) target(%dma_start3A_109 : memref<10240x128xf32, #tpu.memory_space<vmem_shared>>) offsets(%dma_start3A_106 : memref<32xi32, #tpu.memory_space<vmem>>) semaphore(%arg26 : memref<!tpu.dma_semaphore, #tpu.memory_space<semaphore_mem>>) {add = true}
        %dma_wait3A_110 = arith.constant 0 : i32
        %dma_wait3A_111 = arith.constant 0 : i32
        %dma_wait3A_112 = tpu.memref_slice %arg4[%dma_wait3A_110, %dma_wait3A_111] : memref<20480x128xf32, #tpu.memory_space<hbm>> -> memref<32x128xf32, #tpu.memory_space<hbm>>
        %dma_wait3A_113 = arith.constant 0 : i32
        %dma_wait3A_114 = arith.constant 0 : i32
        %dma_wait3A_115 = tpu.memref_slice %arg4[%dma_wait3A_113, %dma_wait3A_114] : memref<20480x128xf32, #tpu.memory_space<hbm>> -> memref<32x128xf32, #tpu.memory_space<hbm>>
        tpu.wait_dma2 semaphore(%arg19 : memref<!tpu.dma_semaphore, #tpu.memory_space<semaphore_mem>>) src(%dma_wait3A_115 : memref<32x128xf32, #tpu.memory_space<hbm>>) dst(%arg11 : memref<32x128xf32, #tpu.memory_space<vmem>>)
        %add3A_116 = arith.constant 2 : i32
        %add3A_117 = arith.addi %mul3A_82, %add3A_116 : i32
        %dma_start3A_118 = arith.constant 0 : i32
        %dma_start3A_119 = tpu.memref_slice %arg8[%add3A_117, %dma_start3A_118] : memref<64x32xi32, #tpu.memory_space<vmem>> -> memref<1x32xi32, #tpu.memory_space<vmem>>
        %dma_start3A_120 = tpu.memref_squeeze %dma_start3A_119 : memref<1x32xi32, #tpu.memory_space<vmem>> -> memref<32xi32, #tpu.memory_space<vmem>>
        %dma_start3A_121 = arith.constant 0 : i32
        %dma_start3A_122 = arith.constant 0 : i32
        %dma_start3A_123 = tpu.memref_slice %arg6[%dma_start3A_121, %dma_start3A_122] : memref<10240x128xf32, #tpu.memory_space<vmem_shared>> -> memref<10240x128xf32, #tpu.memory_space<vmem_shared>>
        tpu.enqueue_indirect_dma source(%arg11 : memref<32x128xf32, #tpu.memory_space<vmem>>) target(%dma_start3A_123 : memref<10240x128xf32, #tpu.memory_space<vmem_shared>>) offsets(%dma_start3A_120 : memref<32xi32, #tpu.memory_space<vmem>>) semaphore(%arg27 : memref<!tpu.dma_semaphore, #tpu.memory_space<semaphore_mem>>) {add = true}
        %dma_wait3A_124 = arith.constant 0 : i32
        %dma_wait3A_125 = arith.constant 0 : i32
        %dma_wait3A_126 = tpu.memref_slice %arg4[%dma_wait3A_124, %dma_wait3A_125] : memref<20480x128xf32, #tpu.memory_space<hbm>> -> memref<32x128xf32, #tpu.memory_space<hbm>>
        %dma_wait3A_127 = arith.constant 0 : i32
        %dma_wait3A_128 = arith.constant 0 : i32
        %dma_wait3A_129 = tpu.memref_slice %arg4[%dma_wait3A_127, %dma_wait3A_128] : memref<20480x128xf32, #tpu.memory_space<hbm>> -> memref<32x128xf32, #tpu.memory_space<hbm>>
        tpu.wait_dma2 semaphore(%arg20 : memref<!tpu.dma_semaphore, #tpu.memory_space<semaphore_mem>>) src(%dma_wait3A_129 : memref<32x128xf32, #tpu.memory_space<hbm>>) dst(%arg12 : memref<32x128xf32, #tpu.memory_space<vmem>>)
        %add3A_130 = arith.constant 3 : i32
        %add3A_131 = arith.addi %mul3A_82, %add3A_130 : i32
        %dma_start3A_132 = arith.constant 0 : i32
        %dma_start3A_133 = tpu.memref_slice %arg8[%add3A_131, %dma_start3A_132] : memref<64x32xi32, #tpu.memory_space<vmem>> -> memref<1x32xi32, #tpu.memory_space<vmem>>
        %dma_start3A_134 = tpu.memref_squeeze %dma_start3A_133 : memref<1x32xi32, #tpu.memory_space<vmem>> -> memref<32xi32, #tpu.memory_space<vmem>>
        %dma_start3A_135 = arith.constant 0 : i32
        %dma_start3A_136 = arith.constant 0 : i32
        %dma_start3A_137 = tpu.memref_slice %arg6[%dma_start3A_135, %dma_start3A_136] : memref<10240x128xf32, #tpu.memory_space<vmem_shared>> -> memref<10240x128xf32, #tpu.memory_space<vmem_shared>>
        tpu.enqueue_indirect_dma source(%arg12 : memref<32x128xf32, #tpu.memory_space<vmem>>) target(%dma_start3A_137 : memref<10240x128xf32, #tpu.memory_space<vmem_shared>>) offsets(%dma_start3A_134 : memref<32xi32, #tpu.memory_space<vmem>>) semaphore(%arg28 : memref<!tpu.dma_semaphore, #tpu.memory_space<semaphore_mem>>) {add = true}
        %dma_wait3A_138 = arith.constant 0 : i32
        %dma_wait3A_139 = arith.constant 0 : i32
        %dma_wait3A_140 = tpu.memref_slice %arg4[%dma_wait3A_138, %dma_wait3A_139] : memref<20480x128xf32, #tpu.memory_space<hbm>> -> memref<32x128xf32, #tpu.memory_space<hbm>>
        %dma_wait3A_141 = arith.constant 0 : i32
        %dma_wait3A_142 = arith.constant 0 : i32
        %dma_wait3A_143 = tpu.memref_slice %arg4[%dma_wait3A_141, %dma_wait3A_142] : memref<20480x128xf32, #tpu.memory_space<hbm>> -> memref<32x128xf32, #tpu.memory_space<hbm>>
        tpu.wait_dma2 semaphore(%arg21 : memref<!tpu.dma_semaphore, #tpu.memory_space<semaphore_mem>>) src(%dma_wait3A_143 : memref<32x128xf32, #tpu.memory_space<hbm>>) dst(%arg13 : memref<32x128xf32, #tpu.memory_space<vmem>>)
        %add3A_144 = arith.constant 4 : i32
        %add3A_145 = arith.addi %mul3A_82, %add3A_144 : i32
        %dma_start3A_146 = arith.constant 0 : i32
        %dma_start3A_147 = tpu.memref_slice %arg8[%add3A_145, %dma_start3A_146] : memref<64x32xi32, #tpu.memory_space<vmem>> -> memref<1x32xi32, #tpu.memory_space<vmem>>
        %dma_start3A_148 = tpu.memref_squeeze %dma_start3A_147 : memref<1x32xi32, #tpu.memory_space<vmem>> -> memref<32xi32, #tpu.memory_space<vmem>>
        %dma_start3A_149 = arith.constant 0 : i32
        %dma_start3A_150 = arith.constant 0 : i32
        %dma_start3A_151 = tpu.memref_slice %arg6[%dma_start3A_149, %dma_start3A_150] : memref<10240x128xf32, #tpu.memory_space<vmem_shared>> -> memref<10240x128xf32, #tpu.memory_space<vmem_shared>>
        tpu.enqueue_indirect_dma source(%arg13 : memref<32x128xf32, #tpu.memory_space<vmem>>) target(%dma_start3A_151 : memref<10240x128xf32, #tpu.memory_space<vmem_shared>>) offsets(%dma_start3A_148 : memref<32xi32, #tpu.memory_space<vmem>>) semaphore(%arg29 : memref<!tpu.dma_semaphore, #tpu.memory_space<semaphore_mem>>) {add = true}
        %dma_wait3A_152 = arith.constant 0 : i32
        %dma_wait3A_153 = arith.constant 0 : i32
        %dma_wait3A_154 = tpu.memref_slice %arg4[%dma_wait3A_152, %dma_wait3A_153] : memref<20480x128xf32, #tpu.memory_space<hbm>> -> memref<32x128xf32, #tpu.memory_space<hbm>>
        %dma_wait3A_155 = arith.constant 0 : i32
        %dma_wait3A_156 = arith.constant 0 : i32
        %dma_wait3A_157 = tpu.memref_slice %arg4[%dma_wait3A_155, %dma_wait3A_156] : memref<20480x128xf32, #tpu.memory_space<hbm>> -> memref<32x128xf32, #tpu.memory_space<hbm>>
        tpu.wait_dma2 semaphore(%arg22 : memref<!tpu.dma_semaphore, #tpu.memory_space<semaphore_mem>>) src(%dma_wait3A_157 : memref<32x128xf32, #tpu.memory_space<hbm>>) dst(%arg14 : memref<32x128xf32, #tpu.memory_space<vmem>>)
        %add3A_158 = arith.constant 5 : i32
        %add3A_159 = arith.addi %mul3A_82, %add3A_158 : i32
        %dma_start3A_160 = arith.constant 0 : i32
        %dma_start3A_161 = tpu.memref_slice %arg8[%add3A_159, %dma_start3A_160] : memref<64x32xi32, #tpu.memory_space<vmem>> -> memref<1x32xi32, #tpu.memory_space<vmem>>
        %dma_start3A_162 = tpu.memref_squeeze %dma_start3A_161 : memref<1x32xi32, #tpu.memory_space<vmem>> -> memref<32xi32, #tpu.memory_space<vmem>>
        %dma_start3A_163 = arith.constant 0 : i32
        %dma_start3A_164 = arith.constant 0 : i32
        %dma_start3A_165 = tpu.memref_slice %arg6[%dma_start3A_163, %dma_start3A_164] : memref<10240x128xf32, #tpu.memory_space<vmem_shared>> -> memref<10240x128xf32, #tpu.memory_space<vmem_shared>>
        tpu.enqueue_indirect_dma source(%arg14 : memref<32x128xf32, #tpu.memory_space<vmem>>) target(%dma_start3A_165 : memref<10240x128xf32, #tpu.memory_space<vmem_shared>>) offsets(%dma_start3A_162 : memref<32xi32, #tpu.memory_space<vmem>>) semaphore(%arg30 : memref<!tpu.dma_semaphore, #tpu.memory_space<semaphore_mem>>) {add = true}
        %dma_wait3A_166 = arith.constant 0 : i32
        %dma_wait3A_167 = arith.constant 0 : i32
        %dma_wait3A_168 = tpu.memref_slice %arg4[%dma_wait3A_166, %dma_wait3A_167] : memref<20480x128xf32, #tpu.memory_space<hbm>> -> memref<32x128xf32, #tpu.memory_space<hbm>>
        %dma_wait3A_169 = arith.constant 0 : i32
        %dma_wait3A_170 = arith.constant 0 : i32
        %dma_wait3A_171 = tpu.memref_slice %arg4[%dma_wait3A_169, %dma_wait3A_170] : memref<20480x128xf32, #tpu.memory_space<hbm>> -> memref<32x128xf32, #tpu.memory_space<hbm>>
        tpu.wait_dma2 semaphore(%arg23 : memref<!tpu.dma_semaphore, #tpu.memory_space<semaphore_mem>>) src(%dma_wait3A_171 : memref<32x128xf32, #tpu.memory_space<hbm>>) dst(%arg15 : memref<32x128xf32, #tpu.memory_space<vmem>>)
        %add3A_172 = arith.constant 6 : i32
        %add3A_173 = arith.addi %mul3A_82, %add3A_172 : i32
        %dma_start3A_174 = arith.constant 0 : i32
        %dma_start3A_175 = tpu.memref_slice %arg8[%add3A_173, %dma_start3A_174] : memref<64x32xi32, #tpu.memory_space<vmem>> -> memref<1x32xi32, #tpu.memory_space<vmem>>
        %dma_start3A_176 = tpu.memref_squeeze %dma_start3A_175 : memref<1x32xi32, #tpu.memory_space<vmem>> -> memref<32xi32, #tpu.memory_space<vmem>>
        %dma_start3A_177 = arith.constant 0 : i32
        %dma_start3A_178 = arith.constant 0 : i32
        %dma_start3A_179 = tpu.memref_slice %arg6[%dma_start3A_177, %dma_start3A_178] : memref<10240x128xf32, #tpu.memory_space<vmem_shared>> -> memref<10240x128xf32, #tpu.memory_space<vmem_shared>>
        tpu.enqueue_indirect_dma source(%arg15 : memref<32x128xf32, #tpu.memory_space<vmem>>) target(%dma_start3A_179 : memref<10240x128xf32, #tpu.memory_space<vmem_shared>>) offsets(%dma_start3A_176 : memref<32xi32, #tpu.memory_space<vmem>>) semaphore(%arg31 : memref<!tpu.dma_semaphore, #tpu.memory_space<semaphore_mem>>) {add = true}
        %dma_wait3A_180 = arith.constant 0 : i32
        %dma_wait3A_181 = arith.constant 0 : i32
        %dma_wait3A_182 = tpu.memref_slice %arg4[%dma_wait3A_180, %dma_wait3A_181] : memref<20480x128xf32, #tpu.memory_space<hbm>> -> memref<32x128xf32, #tpu.memory_space<hbm>>
        %dma_wait3A_183 = arith.constant 0 : i32
        %dma_wait3A_184 = arith.constant 0 : i32
        %dma_wait3A_185 = tpu.memref_slice %arg4[%dma_wait3A_183, %dma_wait3A_184] : memref<20480x128xf32, #tpu.memory_space<hbm>> -> memref<32x128xf32, #tpu.memory_space<hbm>>
        tpu.wait_dma2 semaphore(%arg24 : memref<!tpu.dma_semaphore, #tpu.memory_space<semaphore_mem>>) src(%dma_wait3A_185 : memref<32x128xf32, #tpu.memory_space<hbm>>) dst(%arg16 : memref<32x128xf32, #tpu.memory_space<vmem>>)
        %add3A_186 = arith.constant 7 : i32
        %add3A_187 = arith.addi %mul3A_82, %add3A_186 : i32
        %dma_start3A_188 = arith.constant 0 : i32
        %dma_start3A_189 = tpu.memref_slice %arg8[%add3A_187, %dma_start3A_188] : memref<64x32xi32, #tpu.memory_space<vmem>> -> memref<1x32xi32, #tpu.memory_space<vmem>>
        %dma_start3A_190 = tpu.memref_squeeze %dma_start3A_189 : memref<1x32xi32, #tpu.memory_space<vmem>> -> memref<32xi32, #tpu.memory_space<vmem>>
        %dma_start3A_191 = arith.constant 0 : i32
        %dma_start3A_192 = arith.constant 0 : i32
        %dma_start3A_193 = tpu.memref_slice %arg6[%dma_start3A_191, %dma_start3A_192] : memref<10240x128xf32, #tpu.memory_space<vmem_shared>> -> memref<10240x128xf32, #tpu.memory_space<vmem_shared>>
        tpu.enqueue_indirect_dma source(%arg16 : memref<32x128xf32, #tpu.memory_space<vmem>>) target(%dma_start3A_193 : memref<10240x128xf32, #tpu.memory_space<vmem_shared>>) offsets(%dma_start3A_190 : memref<32xi32, #tpu.memory_space<vmem>>) semaphore(%arg32 : memref<!tpu.dma_semaphore, #tpu.memory_space<semaphore_mem>>) {add = true}
        %dma_wait3A_194 = arith.constant 0 : i32
        %dma_wait3A_195 = arith.constant 0 : i32
        %dma_wait3A_196 = tpu.memref_slice %arg8[%dma_wait3A_194, %dma_wait3A_195] : memref<64x32xi32, #tpu.memory_space<vmem>> -> memref<1x32xi32, #tpu.memory_space<vmem>>
        %dma_wait3A_197 = tpu.memref_squeeze %dma_wait3A_196 : memref<1x32xi32, #tpu.memory_space<vmem>> -> memref<32xi32, #tpu.memory_space<vmem>>
        %dma_wait3A_198 = arith.constant 0 : i32
        %dma_wait3A_199 = arith.constant 0 : i32
        %dma_wait3A_200 = tpu.memref_slice %arg6[%dma_wait3A_198, %dma_wait3A_199] : memref<10240x128xf32, #tpu.memory_space<vmem_shared>> -> memref<10240x128xf32, #tpu.memory_space<vmem_shared>>
        tpu.wait_indirect_dma semaphore(%arg25 : memref<!tpu.dma_semaphore, #tpu.memory_space<semaphore_mem>>) src(%arg9 : memref<32x128xf32, #tpu.memory_space<vmem>>) dst(%dma_wait3A_200 : memref<10240x128xf32, #tpu.memory_space<vmem_shared>>)
        %add3A_201 = arith.constant 8 : i32
        %add3A_202 = arith.addi %mul3A_82, %add3A_201 : i32
        %add3A_203 = arith.constant 0 : i32
        %add3A_204 = arith.addi %add3A_202, %add3A_203 : i32
        %lt3A = arith.constant 64 : i32
        %lt3A_205 = arith.cmpi slt, %add3A_204, %lt3A : i32
        %convert_element_type3A = arith.extui %lt3A_205 : i1 to i32
        %cond3A = arith.constant 0 : i32
        %cond3A_206 = arith.cmpi ne, %convert_element_type3A, %cond3A : i32
        scf.if %cond3A_206 {
          %add3A_320 = arith.constant 8 : i32
          %add3A_321 = arith.addi %mul3A_82, %add3A_320 : i32
          %add3A_322 = arith.constant 0 : i32
          %add3A_323 = arith.addi %add3A_321, %add3A_322 : i32
          %dma_start3A_324 = arith.constant 0 : i32
          %dma_start3A_325 = tpu.memref_slice %arg7[%add3A_323, %dma_start3A_324] : memref<64x32xi32, #tpu.memory_space<vmem>> -> memref<1x32xi32, #tpu.memory_space<vmem>>
          %dma_start3A_326 = tpu.memref_squeeze %dma_start3A_325 : memref<1x32xi32, #tpu.memory_space<vmem>> -> memref<32xi32, #tpu.memory_space<vmem>>
          %dma_start3A_327 = arith.constant 0 : i32
          %dma_start3A_328 = arith.constant 0 : i32
          %dma_start3A_329 = tpu.memref_slice %arg4[%dma_start3A_327, %dma_start3A_328] : memref<20480x128xf32, #tpu.memory_space<hbm>> -> memref<20480x128xf32, #tpu.memory_space<hbm>>
          tpu.enqueue_indirect_dma source(%dma_start3A_329 : memref<20480x128xf32, #tpu.memory_space<hbm>>) target(%arg9 : memref<32x128xf32, #tpu.memory_space<vmem>>) offsets(%dma_start3A_326 : memref<32xi32, #tpu.memory_space<vmem>>) semaphore(%arg17 : memref<!tpu.dma_semaphore, #tpu.memory_space<semaphore_mem>>)
        } else {
        }
        %dma_wait3A_207 = arith.constant 0 : i32
        %dma_wait3A_208 = arith.constant 0 : i32
        %dma_wait3A_209 = tpu.memref_slice %arg8[%dma_wait3A_207, %dma_wait3A_208] : memref<64x32xi32, #tpu.memory_space<vmem>> -> memref<1x32xi32, #tpu.memory_space<vmem>>
        %dma_wait3A_210 = tpu.memref_squeeze %dma_wait3A_209 : memref<1x32xi32, #tpu.memory_space<vmem>> -> memref<32xi32, #tpu.memory_space<vmem>>
        %dma_wait3A_211 = arith.constant 0 : i32
        %dma_wait3A_212 = arith.constant 0 : i32
        %dma_wait3A_213 = tpu.memref_slice %arg6[%dma_wait3A_211, %dma_wait3A_212] : memref<10240x128xf32, #tpu.memory_space<vmem_shared>> -> memref<10240x128xf32, #tpu.memory_space<vmem_shared>>
        tpu.wait_indirect_dma semaphore(%arg26 : memref<!tpu.dma_semaphore, #tpu.memory_space<semaphore_mem>>) src(%arg10 : memref<32x128xf32, #tpu.memory_space<vmem>>) dst(%dma_wait3A_213 : memref<10240x128xf32, #tpu.memory_space<vmem_shared>>)
        %add3A_214 = arith.constant 8 : i32
        %add3A_215 = arith.addi %mul3A_82, %add3A_214 : i32
        %add3A_216 = arith.constant 1 : i32
        %add3A_217 = arith.addi %add3A_215, %add3A_216 : i32
        %lt3A_218 = arith.constant 64 : i32
        %lt3A_219 = arith.cmpi slt, %add3A_217, %lt3A_218 : i32
        %convert_element_type3A_220 = arith.extui %lt3A_219 : i1 to i32
        %cond3A_221 = arith.constant 0 : i32
        %cond3A_222 = arith.cmpi ne, %convert_element_type3A_220, %cond3A_221 : i32
        scf.if %cond3A_222 {
          %add3A_320 = arith.constant 8 : i32
          %add3A_321 = arith.addi %mul3A_82, %add3A_320 : i32
          %add3A_322 = arith.constant 1 : i32
          %add3A_323 = arith.addi %add3A_321, %add3A_322 : i32
          %dma_start3A_324 = arith.constant 0 : i32
          %dma_start3A_325 = tpu.memref_slice %arg7[%add3A_323, %dma_start3A_324] : memref<64x32xi32, #tpu.memory_space<vmem>> -> memref<1x32xi32, #tpu.memory_space<vmem>>
          %dma_start3A_326 = tpu.memref_squeeze %dma_start3A_325 : memref<1x32xi32, #tpu.memory_space<vmem>> -> memref<32xi32, #tpu.memory_space<vmem>>
          %dma_start3A_327 = arith.constant 0 : i32
          %dma_start3A_328 = arith.constant 0 : i32
          %dma_start3A_329 = tpu.memref_slice %arg4[%dma_start3A_327, %dma_start3A_328] : memref<20480x128xf32, #tpu.memory_space<hbm>> -> memref<20480x128xf32, #tpu.memory_space<hbm>>
          tpu.enqueue_indirect_dma source(%dma_start3A_329 : memref<20480x128xf32, #tpu.memory_space<hbm>>) target(%arg10 : memref<32x128xf32, #tpu.memory_space<vmem>>) offsets(%dma_start3A_326 : memref<32xi32, #tpu.memory_space<vmem>>) semaphore(%arg18 : memref<!tpu.dma_semaphore, #tpu.memory_space<semaphore_mem>>)
        } else {
        }
        %dma_wait3A_223 = arith.constant 0 : i32
        %dma_wait3A_224 = arith.constant 0 : i32
        %dma_wait3A_225 = tpu.memref_slice %arg8[%dma_wait3A_223, %dma_wait3A_224] : memref<64x32xi32, #tpu.memory_space<vmem>> -> memref<1x32xi32, #tpu.memory_space<vmem>>
        %dma_wait3A_226 = tpu.memref_squeeze %dma_wait3A_225 : memref<1x32xi32, #tpu.memory_space<vmem>> -> memref<32xi32, #tpu.memory_space<vmem>>
        %dma_wait3A_227 = arith.constant 0 : i32
        %dma_wait3A_228 = arith.constant 0 : i32
        %dma_wait3A_229 = tpu.memref_slice %arg6[%dma_wait3A_227, %dma_wait3A_228] : memref<10240x128xf32, #tpu.memory_space<vmem_shared>> -> memref<10240x128xf32, #tpu.memory_space<vmem_shared>>
        tpu.wait_indirect_dma semaphore(%arg27 : memref<!tpu.dma_semaphore, #tpu.memory_space<semaphore_mem>>) src(%arg11 : memref<32x128xf32, #tpu.memory_space<vmem>>) dst(%dma_wait3A_229 : memref<10240x128xf32, #tpu.memory_space<vmem_shared>>)
        %add3A_230 = arith.constant 8 : i32
        %add3A_231 = arith.addi %mul3A_82, %add3A_230 : i32
        %add3A_232 = arith.constant 2 : i32
        %add3A_233 = arith.addi %add3A_231, %add3A_232 : i32
        %lt3A_234 = arith.constant 64 : i32
        %lt3A_235 = arith.cmpi slt, %add3A_233, %lt3A_234 : i32
        %convert_element_type3A_236 = arith.extui %lt3A_235 : i1 to i32
        %cond3A_237 = arith.constant 0 : i32
        %cond3A_238 = arith.cmpi ne, %convert_element_type3A_236, %cond3A_237 : i32
        scf.if %cond3A_238 {
          %add3A_320 = arith.constant 8 : i32
          %add3A_321 = arith.addi %mul3A_82, %add3A_320 : i32
          %add3A_322 = arith.constant 2 : i32
          %add3A_323 = arith.addi %add3A_321, %add3A_322 : i32
          %dma_start3A_324 = arith.constant 0 : i32
          %dma_start3A_325 = tpu.memref_slice %arg7[%add3A_323, %dma_start3A_324] : memref<64x32xi32, #tpu.memory_space<vmem>> -> memref<1x32xi32, #tpu.memory_space<vmem>>
          %dma_start3A_326 = tpu.memref_squeeze %dma_start3A_325 : memref<1x32xi32, #tpu.memory_space<vmem>> -> memref<32xi32, #tpu.memory_space<vmem>>
          %dma_start3A_327 = arith.constant 0 : i32
          %dma_start3A_328 = arith.constant 0 : i32
          %dma_start3A_329 = tpu.memref_slice %arg4[%dma_start3A_327, %dma_start3A_328] : memref<20480x128xf32, #tpu.memory_space<hbm>> -> memref<20480x128xf32, #tpu.memory_space<hbm>>
          tpu.enqueue_indirect_dma source(%dma_start3A_329 : memref<20480x128xf32, #tpu.memory_space<hbm>>) target(%arg11 : memref<32x128xf32, #tpu.memory_space<vmem>>) offsets(%dma_start3A_326 : memref<32xi32, #tpu.memory_space<vmem>>) semaphore(%arg19 : memref<!tpu.dma_semaphore, #tpu.memory_space<semaphore_mem>>)
        } else {
        }
        %dma_wait3A_239 = arith.constant 0 : i32
        %dma_wait3A_240 = arith.constant 0 : i32
        %dma_wait3A_241 = tpu.memref_slice %arg8[%dma_wait3A_239, %dma_wait3A_240] : memref<64x32xi32, #tpu.memory_space<vmem>> -> memref<1x32xi32, #tpu.memory_space<vmem>>
        %dma_wait3A_242 = tpu.memref_squeeze %dma_wait3A_241 : memref<1x32xi32, #tpu.memory_space<vmem>> -> memref<32xi32, #tpu.memory_space<vmem>>
        %dma_wait3A_243 = arith.constant 0 : i32
        %dma_wait3A_244 = arith.constant 0 : i32
        %dma_wait3A_245 = tpu.memref_slice %arg6[%dma_wait3A_243, %dma_wait3A_244] : memref<10240x128xf32, #tpu.memory_space<vmem_shared>> -> memref<10240x128xf32, #tpu.memory_space<vmem_shared>>
        tpu.wait_indirect_dma semaphore(%arg28 : memref<!tpu.dma_semaphore, #tpu.memory_space<semaphore_mem>>) src(%arg12 : memref<32x128xf32, #tpu.memory_space<vmem>>) dst(%dma_wait3A_245 : memref<10240x128xf32, #tpu.memory_space<vmem_shared>>)
        %add3A_246 = arith.constant 8 : i32
        %add3A_247 = arith.addi %mul3A_82, %add3A_246 : i32
        %add3A_248 = arith.constant 3 : i32
        %add3A_249 = arith.addi %add3A_247, %add3A_248 : i32
        %lt3A_250 = arith.constant 64 : i32
        %lt3A_251 = arith.cmpi slt, %add3A_249, %lt3A_250 : i32
        %convert_element_type3A_252 = arith.extui %lt3A_251 : i1 to i32
        %cond3A_253 = arith.constant 0 : i32
        %cond3A_254 = arith.cmpi ne, %convert_element_type3A_252, %cond3A_253 : i32
        scf.if %cond3A_254 {
          %add3A_320 = arith.constant 8 : i32
          %add3A_321 = arith.addi %mul3A_82, %add3A_320 : i32
          %add3A_322 = arith.constant 3 : i32
          %add3A_323 = arith.addi %add3A_321, %add3A_322 : i32
          %dma_start3A_324 = arith.constant 0 : i32
          %dma_start3A_325 = tpu.memref_slice %arg7[%add3A_323, %dma_start3A_324] : memref<64x32xi32, #tpu.memory_space<vmem>> -> memref<1x32xi32, #tpu.memory_space<vmem>>
          %dma_start3A_326 = tpu.memref_squeeze %dma_start3A_325 : memref<1x32xi32, #tpu.memory_space<vmem>> -> memref<32xi32, #tpu.memory_space<vmem>>
          %dma_start3A_327 = arith.constant 0 : i32
          %dma_start3A_328 = arith.constant 0 : i32
          %dma_start3A_329 = tpu.memref_slice %arg4[%dma_start3A_327, %dma_start3A_328] : memref<20480x128xf32, #tpu.memory_space<hbm>> -> memref<20480x128xf32, #tpu.memory_space<hbm>>
          tpu.enqueue_indirect_dma source(%dma_start3A_329 : memref<20480x128xf32, #tpu.memory_space<hbm>>) target(%arg12 : memref<32x128xf32, #tpu.memory_space<vmem>>) offsets(%dma_start3A_326 : memref<32xi32, #tpu.memory_space<vmem>>) semaphore(%arg20 : memref<!tpu.dma_semaphore, #tpu.memory_space<semaphore_mem>>)
        } else {
        }
        %dma_wait3A_255 = arith.constant 0 : i32
        %dma_wait3A_256 = arith.constant 0 : i32
        %dma_wait3A_257 = tpu.memref_slice %arg8[%dma_wait3A_255, %dma_wait3A_256] : memref<64x32xi32, #tpu.memory_space<vmem>> -> memref<1x32xi32, #tpu.memory_space<vmem>>
        %dma_wait3A_258 = tpu.memref_squeeze %dma_wait3A_257 : memref<1x32xi32, #tpu.memory_space<vmem>> -> memref<32xi32, #tpu.memory_space<vmem>>
        %dma_wait3A_259 = arith.constant 0 : i32
        %dma_wait3A_260 = arith.constant 0 : i32
        %dma_wait3A_261 = tpu.memref_slice %arg6[%dma_wait3A_259, %dma_wait3A_260] : memref<10240x128xf32, #tpu.memory_space<vmem_shared>> -> memref<10240x128xf32, #tpu.memory_space<vmem_shared>>
        tpu.wait_indirect_dma semaphore(%arg29 : memref<!tpu.dma_semaphore, #tpu.memory_space<semaphore_mem>>) src(%arg13 : memref<32x128xf32, #tpu.memory_space<vmem>>) dst(%dma_wait3A_261 : memref<10240x128xf32, #tpu.memory_space<vmem_shared>>)
        %add3A_262 = arith.constant 8 : i32
        %add3A_263 = arith.addi %mul3A_82, %add3A_262 : i32
        %add3A_264 = arith.constant 4 : i32
        %add3A_265 = arith.addi %add3A_263, %add3A_264 : i32
        %lt3A_266 = arith.constant 64 : i32
        %lt3A_267 = arith.cmpi slt, %add3A_265, %lt3A_266 : i32
        %convert_element_type3A_268 = arith.extui %lt3A_267 : i1 to i32
        %cond3A_269 = arith.constant 0 : i32
        %cond3A_270 = arith.cmpi ne, %convert_element_type3A_268, %cond3A_269 : i32
        scf.if %cond3A_270 {
          %add3A_320 = arith.constant 8 : i32
          %add3A_321 = arith.addi %mul3A_82, %add3A_320 : i32
          %add3A_322 = arith.constant 4 : i32
          %add3A_323 = arith.addi %add3A_321, %add3A_322 : i32
          %dma_start3A_324 = arith.constant 0 : i32
          %dma_start3A_325 = tpu.memref_slice %arg7[%add3A_323, %dma_start3A_324] : memref<64x32xi32, #tpu.memory_space<vmem>> -> memref<1x32xi32, #tpu.memory_space<vmem>>
          %dma_start3A_326 = tpu.memref_squeeze %dma_start3A_325 : memref<1x32xi32, #tpu.memory_space<vmem>> -> memref<32xi32, #tpu.memory_space<vmem>>
          %dma_start3A_327 = arith.constant 0 : i32
          %dma_start3A_328 = arith.constant 0 : i32
          %dma_start3A_329 = tpu.memref_slice %arg4[%dma_start3A_327, %dma_start3A_328] : memref<20480x128xf32, #tpu.memory_space<hbm>> -> memref<20480x128xf32, #tpu.memory_space<hbm>>
          tpu.enqueue_indirect_dma source(%dma_start3A_329 : memref<20480x128xf32, #tpu.memory_space<hbm>>) target(%arg13 : memref<32x128xf32, #tpu.memory_space<vmem>>) offsets(%dma_start3A_326 : memref<32xi32, #tpu.memory_space<vmem>>) semaphore(%arg21 : memref<!tpu.dma_semaphore, #tpu.memory_space<semaphore_mem>>)
        } else {
        }
        %dma_wait3A_271 = arith.constant 0 : i32
        %dma_wait3A_272 = arith.constant 0 : i32
        %dma_wait3A_273 = tpu.memref_slice %arg8[%dma_wait3A_271, %dma_wait3A_272] : memref<64x32xi32, #tpu.memory_space<vmem>> -> memref<1x32xi32, #tpu.memory_space<vmem>>
        %dma_wait3A_274 = tpu.memref_squeeze %dma_wait3A_273 : memref<1x32xi32, #tpu.memory_space<vmem>> -> memref<32xi32, #tpu.memory_space<vmem>>
        %dma_wait3A_275 = arith.constant 0 : i32
        %dma_wait3A_276 = arith.constant 0 : i32
        %dma_wait3A_277 = tpu.memref_slice %arg6[%dma_wait3A_275, %dma_wait3A_276] : memref<10240x128xf32, #tpu.memory_space<vmem_shared>> -> memref<10240x128xf32, #tpu.memory_space<vmem_shared>>
        tpu.wait_indirect_dma semaphore(%arg30 : memref<!tpu.dma_semaphore, #tpu.memory_space<semaphore_mem>>) src(%arg14 : memref<32x128xf32, #tpu.memory_space<vmem>>) dst(%dma_wait3A_277 : memref<10240x128xf32, #tpu.memory_space<vmem_shared>>)
        %add3A_278 = arith.constant 8 : i32
        %add3A_279 = arith.addi %mul3A_82, %add3A_278 : i32
        %add3A_280 = arith.constant 5 : i32
        %add3A_281 = arith.addi %add3A_279, %add3A_280 : i32
        %lt3A_282 = arith.constant 64 : i32
        %lt3A_283 = arith.cmpi slt, %add3A_281, %lt3A_282 : i32
        %convert_element_type3A_284 = arith.extui %lt3A_283 : i1 to i32
        %cond3A_285 = arith.constant 0 : i32
        %cond3A_286 = arith.cmpi ne, %convert_element_type3A_284, %cond3A_285 : i32
        scf.if %cond3A_286 {
          %add3A_320 = arith.constant 8 : i32
          %add3A_321 = arith.addi %mul3A_82, %add3A_320 : i32
          %add3A_322 = arith.constant 5 : i32
          %add3A_323 = arith.addi %add3A_321, %add3A_322 : i32
          %dma_start3A_324 = arith.constant 0 : i32
          %dma_start3A_325 = tpu.memref_slice %arg7[%add3A_323, %dma_start3A_324] : memref<64x32xi32, #tpu.memory_space<vmem>> -> memref<1x32xi32, #tpu.memory_space<vmem>>
          %dma_start3A_326 = tpu.memref_squeeze %dma_start3A_325 : memref<1x32xi32, #tpu.memory_space<vmem>> -> memref<32xi32, #tpu.memory_space<vmem>>
          %dma_start3A_327 = arith.constant 0 : i32
          %dma_start3A_328 = arith.constant 0 : i32
          %dma_start3A_329 = tpu.memref_slice %arg4[%dma_start3A_327, %dma_start3A_328] : memref<20480x128xf32, #tpu.memory_space<hbm>> -> memref<20480x128xf32, #tpu.memory_space<hbm>>
          tpu.enqueue_indirect_dma source(%dma_start3A_329 : memref<20480x128xf32, #tpu.memory_space<hbm>>) target(%arg14 : memref<32x128xf32, #tpu.memory_space<vmem>>) offsets(%dma_start3A_326 : memref<32xi32, #tpu.memory_space<vmem>>) semaphore(%arg22 : memref<!tpu.dma_semaphore, #tpu.memory_space<semaphore_mem>>)
        } else {
        }
        %dma_wait3A_287 = arith.constant 0 : i32
        %dma_wait3A_288 = arith.constant 0 : i32
        %dma_wait3A_289 = tpu.memref_slice %arg8[%dma_wait3A_287, %dma_wait3A_288] : memref<64x32xi32, #tpu.memory_space<vmem>> -> memref<1x32xi32, #tpu.memory_space<vmem>>
        %dma_wait3A_290 = tpu.memref_squeeze %dma_wait3A_289 : memref<1x32xi32, #tpu.memory_space<vmem>> -> memref<32xi32, #tpu.memory_space<vmem>>
        %dma_wait3A_291 = arith.constant 0 : i32
        %dma_wait3A_292 = arith.constant 0 : i32
        %dma_wait3A_293 = tpu.memref_slice %arg6[%dma_wait3A_291, %dma_wait3A_292] : memref<10240x128xf32, #tpu.memory_space<vmem_shared>> -> memref<10240x128xf32, #tpu.memory_space<vmem_shared>>
        tpu.wait_indirect_dma semaphore(%arg31 : memref<!tpu.dma_semaphore, #tpu.memory_space<semaphore_mem>>) src(%arg15 : memref<32x128xf32, #tpu.memory_space<vmem>>) dst(%dma_wait3A_293 : memref<10240x128xf32, #tpu.memory_space<vmem_shared>>)
        %add3A_294 = arith.constant 8 : i32
        %add3A_295 = arith.addi %mul3A_82, %add3A_294 : i32
        %add3A_296 = arith.constant 6 : i32
        %add3A_297 = arith.addi %add3A_295, %add3A_296 : i32
        %lt3A_298 = arith.constant 64 : i32
        %lt3A_299 = arith.cmpi slt, %add3A_297, %lt3A_298 : i32
        %convert_element_type3A_300 = arith.extui %lt3A_299 : i1 to i32
        %cond3A_301 = arith.constant 0 : i32
        %cond3A_302 = arith.cmpi ne, %convert_element_type3A_300, %cond3A_301 : i32
        scf.if %cond3A_302 {
          %add3A_320 = arith.constant 8 : i32
          %add3A_321 = arith.addi %mul3A_82, %add3A_320 : i32
          %add3A_322 = arith.constant 6 : i32
          %add3A_323 = arith.addi %add3A_321, %add3A_322 : i32
          %dma_start3A_324 = arith.constant 0 : i32
          %dma_start3A_325 = tpu.memref_slice %arg7[%add3A_323, %dma_start3A_324] : memref<64x32xi32, #tpu.memory_space<vmem>> -> memref<1x32xi32, #tpu.memory_space<vmem>>
          %dma_start3A_326 = tpu.memref_squeeze %dma_start3A_325 : memref<1x32xi32, #tpu.memory_space<vmem>> -> memref<32xi32, #tpu.memory_space<vmem>>
          %dma_start3A_327 = arith.constant 0 : i32
          %dma_start3A_328 = arith.constant 0 : i32
          %dma_start3A_329 = tpu.memref_slice %arg4[%dma_start3A_327, %dma_start3A_328] : memref<20480x128xf32, #tpu.memory_space<hbm>> -> memref<20480x128xf32, #tpu.memory_space<hbm>>
          tpu.enqueue_indirect_dma source(%dma_start3A_329 : memref<20480x128xf32, #tpu.memory_space<hbm>>) target(%arg15 : memref<32x128xf32, #tpu.memory_space<vmem>>) offsets(%dma_start3A_326 : memref<32xi32, #tpu.memory_space<vmem>>) semaphore(%arg23 : memref<!tpu.dma_semaphore, #tpu.memory_space<semaphore_mem>>)
        } else {
        }
        %dma_wait3A_303 = arith.constant 0 : i32
        %dma_wait3A_304 = arith.constant 0 : i32
        %dma_wait3A_305 = tpu.memref_slice %arg8[%dma_wait3A_303, %dma_wait3A_304] : memref<64x32xi32, #tpu.memory_space<vmem>> -> memref<1x32xi32, #tpu.memory_space<vmem>>
        %dma_wait3A_306 = tpu.memref_squeeze %dma_wait3A_305 : memref<1x32xi32, #tpu.memory_space<vmem>> -> memref<32xi32, #tpu.memory_space<vmem>>
        %dma_wait3A_307 = arith.constant 0 : i32
        %dma_wait3A_308 = arith.constant 0 : i32
        %dma_wait3A_309 = tpu.memref_slice %arg6[%dma_wait3A_307, %dma_wait3A_308] : memref<10240x128xf32, #tpu.memory_space<vmem_shared>> -> memref<10240x128xf32, #tpu.memory_space<vmem_shared>>
        tpu.wait_indirect_dma semaphore(%arg32 : memref<!tpu.dma_semaphore, #tpu.memory_space<semaphore_mem>>) src(%arg16 : memref<32x128xf32, #tpu.memory_space<vmem>>) dst(%dma_wait3A_309 : memref<10240x128xf32, #tpu.memory_space<vmem_shared>>)
        %add3A_310 = arith.constant 8 : i32
        %add3A_311 = arith.addi %mul3A_82, %add3A_310 : i32
        %add3A_312 = arith.constant 7 : i32
        %add3A_313 = arith.addi %add3A_311, %add3A_312 : i32
        %lt3A_314 = arith.constant 64 : i32
        %lt3A_315 = arith.cmpi slt, %add3A_313, %lt3A_314 : i32
        %convert_element_type3A_316 = arith.extui %lt3A_315 : i1 to i32
        %cond3A_317 = arith.constant 0 : i32
        %cond3A_318 = arith.cmpi ne, %convert_element_type3A_316, %cond3A_317 : i32
        scf.if %cond3A_318 {
          %add3A_320 = arith.constant 8 : i32
          %add3A_321 = arith.addi %mul3A_82, %add3A_320 : i32
          %add3A_322 = arith.constant 7 : i32
          %add3A_323 = arith.addi %add3A_321, %add3A_322 : i32
          %dma_start3A_324 = arith.constant 0 : i32
          %dma_start3A_325 = tpu.memref_slice %arg7[%add3A_323, %dma_start3A_324] : memref<64x32xi32, #tpu.memory_space<vmem>> -> memref<1x32xi32, #tpu.memory_space<vmem>>
          %dma_start3A_326 = tpu.memref_squeeze %dma_start3A_325 : memref<1x32xi32, #tpu.memory_space<vmem>> -> memref<32xi32, #tpu.memory_space<vmem>>
          %dma_start3A_327 = arith.constant 0 : i32
          %dma_start3A_328 = arith.constant 0 : i32
          %dma_start3A_329 = tpu.memref_slice %arg4[%dma_start3A_327, %dma_start3A_328] : memref<20480x128xf32, #tpu.memory_space<hbm>> -> memref<20480x128xf32, #tpu.memory_space<hbm>>
          tpu.enqueue_indirect_dma source(%dma_start3A_329 : memref<20480x128xf32, #tpu.memory_space<hbm>>) target(%arg16 : memref<32x128xf32, #tpu.memory_space<vmem>>) offsets(%dma_start3A_326 : memref<32xi32, #tpu.memory_space<vmem>>) semaphore(%arg24 : memref<!tpu.dma_semaphore, #tpu.memory_space<semaphore_mem>>)
        } else {
        }
        %scan3A_319 = arith.constant 0 : i32
        scf.yield %scan3A_319 : i32
      }
      %scan3A_77 = arith.constant 8 : i32
      %scan3A_78 = arith.constant 0 : i32
      scf.yield %scan3A_78 : i32
    }
    %scan3A_8 = arith.constant 10 : i32
    %barrier3A_9 = arith.constant 0 : index
    tpu.barrier barrier_id(%barrier3A_9)
    "tpu.region"() ({
      %run_scoped3A = tpu.sem_alloc : memref<!tpu.dma_semaphore, #tpu.memory_space<semaphore_mem>>
      %dma_start3A = arith.constant 0 : i32
      %dma_start3A_10 = tpu.memref_slice %arg5[%arg0, %mul3A_0, %dma_start3A] : memref<2x10240x128xf32, #tpu.memory_space<hbm>> -> memref<1x640x128xf32, #tpu.memory_space<hbm>>
      %dma_start3A_11 = tpu.memref_squeeze %dma_start3A_10 : memref<1x640x128xf32, #tpu.memory_space<hbm>> -> memref<640x128xf32, #tpu.memory_space<hbm>>
      %dma_start3A_12 = arith.constant 0 : i32
      %dma_start3A_13 = tpu.memref_slice %arg6[%mul3A_0, %dma_start3A_12] : memref<10240x128xf32, #tpu.memory_space<vmem_shared>> -> memref<640x128xf32, #tpu.memory_space<vmem_shared>>
      tpu.enqueue_dma source(%dma_start3A_13 : memref<640x128xf32, #tpu.memory_space<vmem_shared>>) target(%dma_start3A_11 : memref<640x128xf32, #tpu.memory_space<hbm>>) target_semaphore(%run_scoped3A : memref<!tpu.dma_semaphore, #tpu.memory_space<semaphore_mem>>)
      %dma_wait3A = arith.constant 0 : i32
      %dma_wait3A_14 = tpu.memref_slice %arg5[%arg0, %mul3A_0, %dma_wait3A] : memref<2x10240x128xf32, #tpu.memory_space<hbm>> -> memref<1x640x128xf32, #tpu.memory_space<hbm>>
      %dma_wait3A_15 = tpu.memref_squeeze %dma_wait3A_14 : memref<1x640x128xf32, #tpu.memory_space<hbm>> -> memref<640x128xf32, #tpu.memory_space<hbm>>
      %dma_wait3A_16 = arith.constant 0 : i32
      %dma_wait3A_17 = tpu.memref_slice %arg6[%mul3A_0, %dma_wait3A_16] : memref<10240x128xf32, #tpu.memory_space<vmem_shared>> -> memref<640x128xf32, #tpu.memory_space<vmem_shared>>
      tpu.wait_dma2 semaphore(%run_scoped3A : memref<!tpu.dma_semaphore, #tpu.memory_space<semaphore_mem>>) src(%dma_wait3A_17 : memref<640x128xf32, #tpu.memory_space<vmem_shared>>) dst(%dma_wait3A_15 : memref<640x128xf32, #tpu.memory_space<hbm>>)
      tpu.yield
    }) : () -> ()
    return
  }
}

#map = affine_map<(d0, d1) -> (0, 0, 0)>
#map1 = affine_map<(d0, d1) -> (0, 0)>
module attributes {stable_mosaic.version = 14 : i64} {
  func.func @_deg_body(%arg0: i32, %arg1: i32, %arg2: memref<16x640x32xi32, #tpu.memory_space<hbm>>, %arg3: memref<2x10240xf32, #tpu.memory_space<hbm>>, %arg4: memref<10240xf32, #tpu.memory_space<vmem_shared>>, %arg5: memref<320x32xi32, #tpu.memory_space<vmem>>, %arg6: memref<32xf32, #tpu.memory_space<vmem>>, %arg7: memref<640xf32, #tpu.memory_space<vmem>>) attributes {dimension_semantics = [#tpu.dimension_semantics<core_parallel>, #tpu.dimension_semantics<subcore_parallel>], iteration_bounds = array<i64: 2, 16>, scalar_prefetch = 0 : i64, scratch_operands = 4 : i64, tpu.core_type = #tpu.core_type<sc_vector_subcore>, window_params = [{transform_indices = #map}, {transform_indices = #map1}]} {
    %scan3A = arith.constant 0 : i32
    %scan3A_0 = arith.constant 0 : i32
    %scan3A_1 = arith.constant 40 : i32
    %scan3A_2 = arith.addi %scan3A_0, %scan3A_1 : i32
    %scan3A_3 = arith.constant 1 : i32
    %scan3A_4 = scf.for %scan3A_28 = %scan3A_0 to %scan3A_2 step %scan3A_3 iter_args(%scan3A_29 = %scan3A) -> (i32)  : i32 {
      %broadcast_in_dim3A = arith.constant 0.000000e+00 : f32
      %broadcast_in_dim3A_30 = vector.broadcast %broadcast_in_dim3A : f32 to vector<16xf32>
      %mul3A_31 = arith.constant 16 : i32
      %mul3A_32 = arith.muli %scan3A_28, %mul3A_31 : i32
      %swap3A = arith.index_cast %mul3A_32 : i32 to index
      %swap3A_33 = tpu.vector_load %arg7[%swap3A] {strides = array<i32>} : memref<640xf32, #tpu.memory_space<vmem>>, vector<16xf32>,
      %swap3A_34 = vector.shape_cast %swap3A_33 : vector<16xf32> to vector<16xf32>
      %swap3A_35 = vector.shape_cast %broadcast_in_dim3A_30 : vector<16xf32> to vector<16xf32>
      tpu.vector_store %arg7[%swap3A], %swap3A_35 {strides = array<i32>} : memref<640xf32, #tpu.memory_space<vmem>>, vector<16xf32>,
      %scan3A_36 = arith.constant 0 : i32
      scf.yield %scan3A_36 : i32
    }
    %scan3A_5 = arith.constant 40 : i32
    %scan3A_6 = arith.constant 0 : i32
    %scan3A_7 = arith.constant 0 : i32
    %scan3A_8 = arith.constant 2 : i32
    %scan3A_9 = arith.addi %scan3A_7, %scan3A_8 : i32
    %scan3A_10 = arith.constant 1 : i32
    %scan3A_11 = scf.for %scan3A_28 = %scan3A_7 to %scan3A_9 step %scan3A_10 iter_args(%scan3A_29 = %scan3A_6) -> (i32)  : i32 {
      %broadcast_in_dim3A = arith.constant 1.000000e+00 : f32
      %broadcast_in_dim3A_30 = vector.broadcast %broadcast_in_dim3A : f32 to vector<16xf32>
      %mul3A_31 = arith.constant 16 : i32
      %mul3A_32 = arith.muli %scan3A_28, %mul3A_31 : i32
      %swap3A = arith.index_cast %mul3A_32 : i32 to index
      %swap3A_33 = tpu.vector_load %arg6[%swap3A] {strides = array<i32>} : memref<32xf32, #tpu.memory_space<vmem>>, vector<16xf32>,
      %swap3A_34 = vector.shape_cast %swap3A_33 : vector<16xf32> to vector<16xf32>
      %swap3A_35 = vector.shape_cast %broadcast_in_dim3A_30 : vector<16xf32> to vector<16xf32>
      tpu.vector_store %arg6[%swap3A], %swap3A_35 {strides = array<i32>} : memref<32xf32, #tpu.memory_space<vmem>>, vector<16xf32>,
      %scan3A_36 = arith.constant 0 : i32
      scf.yield %scan3A_36 : i32
    }
    %scan3A_12 = arith.constant 2 : i32
    %mul3A = arith.constant 640 : i32
    %mul3A_13 = arith.muli %arg1, %mul3A : i32
    "tpu.region"() ({
      %run_scoped3A = tpu.sem_alloc : memref<!tpu.dma_semaphore, #tpu.memory_space<semaphore_mem>>
      %dma_start3A = tpu.memref_slice %arg4[%mul3A_13] : memref<10240xf32, #tpu.memory_space<vmem_shared>> -> memref<640xf32, #tpu.memory_space<vmem_shared>>
      %dma_start3A_28 = tpu.memref_slice %arg4[%mul3A_13] : memref<10240xf32, #tpu.memory_space<vmem_shared>> -> memref<640xf32, #tpu.memory_space<vmem_shared>>
      tpu.enqueue_dma source(%arg7 : memref<640xf32, #tpu.memory_space<vmem>>) target(%dma_start3A_28 : memref<640xf32, #tpu.memory_space<vmem_shared>>) target_semaphore(%run_scoped3A : memref<!tpu.dma_semaphore, #tpu.memory_space<semaphore_mem>>)
      %dma_wait3A = tpu.memref_slice %arg4[%mul3A_13] : memref<10240xf32, #tpu.memory_space<vmem_shared>> -> memref<640xf32, #tpu.memory_space<vmem_shared>>
      %dma_wait3A_29 = tpu.memref_slice %arg4[%mul3A_13] : memref<10240xf32, #tpu.memory_space<vmem_shared>> -> memref<640xf32, #tpu.memory_space<vmem_shared>>
      tpu.wait_dma2 semaphore(%run_scoped3A : memref<!tpu.dma_semaphore, #tpu.memory_space<semaphore_mem>>) src(%arg7 : memref<640xf32, #tpu.memory_space<vmem>>) dst(%dma_wait3A_29 : memref<640xf32, #tpu.memory_space<vmem_shared>>)
      tpu.yield
    }) : () -> ()
    %mul3A_14 = arith.constant 320 : i32
    %mul3A_15 = arith.muli %arg0, %mul3A_14 : i32
    "tpu.region"() ({
      %run_scoped3A = tpu.sem_alloc : memref<!tpu.dma_semaphore, #tpu.memory_space<semaphore_mem>>
      %dma_start3A = arith.constant 0 : i32
      %dma_start3A_28 = tpu.memref_slice %arg2[%arg1, %mul3A_15, %dma_start3A] : memref<16x640x32xi32, #tpu.memory_space<hbm>> -> memref<1x320x32xi32, #tpu.memory_space<hbm>>
      %dma_start3A_29 = tpu.memref_squeeze %dma_start3A_28 : memref<1x320x32xi32, #tpu.memory_space<hbm>> -> memref<320x32xi32, #tpu.memory_space<hbm>>
      %dma_start3A_30 = arith.constant 0 : i32
      %dma_start3A_31 = tpu.memref_slice %arg2[%arg1, %mul3A_15, %dma_start3A_30] : memref<16x640x32xi32, #tpu.memory_space<hbm>> -> memref<1x320x32xi32, #tpu.memory_space<hbm>>
      %dma_start3A_32 = tpu.memref_squeeze %dma_start3A_31 : memref<1x320x32xi32, #tpu.memory_space<hbm>> -> memref<320x32xi32, #tpu.memory_space<hbm>>
      tpu.enqueue_dma source(%dma_start3A_32 : memref<320x32xi32, #tpu.memory_space<hbm>>) target(%arg5 : memref<320x32xi32, #tpu.memory_space<vmem>>) target_semaphore(%run_scoped3A : memref<!tpu.dma_semaphore, #tpu.memory_space<semaphore_mem>>)
      %dma_wait3A = arith.constant 0 : i32
      %dma_wait3A_33 = tpu.memref_slice %arg2[%arg1, %mul3A_15, %dma_wait3A] : memref<16x640x32xi32, #tpu.memory_space<hbm>> -> memref<1x320x32xi32, #tpu.memory_space<hbm>>
      %dma_wait3A_34 = tpu.memref_squeeze %dma_wait3A_33 : memref<1x320x32xi32, #tpu.memory_space<hbm>> -> memref<320x32xi32, #tpu.memory_space<hbm>>
      %dma_wait3A_35 = arith.constant 0 : i32
      %dma_wait3A_36 = tpu.memref_slice %arg2[%arg1, %mul3A_15, %dma_wait3A_35] : memref<16x640x32xi32, #tpu.memory_space<hbm>> -> memref<1x320x32xi32, #tpu.memory_space<hbm>>
      %dma_wait3A_37 = tpu.memref_squeeze %dma_wait3A_36 : memref<1x320x32xi32, #tpu.memory_space<hbm>> -> memref<320x32xi32, #tpu.memory_space<hbm>>
      tpu.wait_dma2 semaphore(%run_scoped3A : memref<!tpu.dma_semaphore, #tpu.memory_space<semaphore_mem>>) src(%dma_wait3A_37 : memref<320x32xi32, #tpu.memory_space<hbm>>) dst(%arg5 : memref<320x32xi32, #tpu.memory_space<vmem>>)
      tpu.yield
    }) : () -> ()
    %barrier3A = arith.constant 0 : index
    tpu.barrier barrier_id(%barrier3A)
    %scan3A_16 = arith.constant 0 : i32
    %scan3A_17 = arith.constant 0 : i32
    %scan3A_18 = arith.constant 320 : i32
    %scan3A_19 = arith.addi %scan3A_17, %scan3A_18 : i32
    %scan3A_20 = arith.constant 1 : i32
    %scan3A_21 = scf.for %scan3A_28 = %scan3A_17 to %scan3A_19 step %scan3A_20 iter_args(%scan3A_29 = %scan3A_16) -> (i32)  : i32 {
      "tpu.region"() ({
        %run_scoped3A = tpu.sem_alloc : memref<!tpu.dma_semaphore, #tpu.memory_space<semaphore_mem>>
        %dma_start3A = arith.constant 0 : i32
        %dma_start3A_31 = tpu.memref_slice %arg5[%scan3A_28, %dma_start3A] : memref<320x32xi32, #tpu.memory_space<vmem>> -> memref<1x32xi32, #tpu.memory_space<vmem>>
        %dma_start3A_32 = tpu.memref_squeeze %dma_start3A_31 : memref<1x32xi32, #tpu.memory_space<vmem>> -> memref<32xi32, #tpu.memory_space<vmem>>
        %dma_start3A_33 = arith.constant 0 : i32
        %dma_start3A_34 = tpu.memref_slice %arg4[%dma_start3A_33] : memref<10240xf32, #tpu.memory_space<vmem_shared>> -> memref<10240xf32, #tpu.memory_space<vmem_shared>>
        tpu.enqueue_indirect_dma source(%arg6 : memref<32xf32, #tpu.memory_space<vmem>>) target(%dma_start3A_34 : memref<10240xf32, #tpu.memory_space<vmem_shared>>) offsets(%dma_start3A_32 : memref<32xi32, #tpu.memory_space<vmem>>) semaphore(%run_scoped3A : memref<!tpu.dma_semaphore, #tpu.memory_space<semaphore_mem>>) {add = true}
        %dma_wait3A = arith.constant 0 : i32
        %dma_wait3A_35 = tpu.memref_slice %arg5[%scan3A_28, %dma_wait3A] : memref<320x32xi32, #tpu.memory_space<vmem>> -> memref<1x32xi32, #tpu.memory_space<vmem>>
        %dma_wait3A_36 = tpu.memref_squeeze %dma_wait3A_35 : memref<1x32xi32, #tpu.memory_space<vmem>> -> memref<32xi32, #tpu.memory_space<vmem>>
        %dma_wait3A_37 = arith.constant 0 : i32
        %dma_wait3A_38 = tpu.memref_slice %arg4[%dma_wait3A_37] : memref<10240xf32, #tpu.memory_space<vmem_shared>> -> memref<10240xf32, #tpu.memory_space<vmem_shared>>
        tpu.wait_indirect_dma semaphore(%run_scoped3A : memref<!tpu.dma_semaphore, #tpu.memory_space<semaphore_mem>>) src(%arg6 : memref<32xf32, #tpu.memory_space<vmem>>) dst(%dma_wait3A_38 : memref<10240xf32, #tpu.memory_space<vmem_shared>>)
        tpu.yield
      }) : () -> ()
      %scan3A_30 = arith.constant 0 : i32
      scf.yield %scan3A_30 : i32
    }
    %scan3A_22 = arith.constant 320 : i32
    %barrier3A_23 = arith.constant 0 : index
    tpu.barrier barrier_id(%barrier3A_23)
    %mul3A_24 = arith.constant 640 : i32
    %mul3A_25 = arith.muli %arg1, %mul3A_24 : i32
    %mul3A_26 = arith.constant 640 : i32
    %mul3A_27 = arith.muli %arg1, %mul3A_26 : i32
    "tpu.region"() ({
      %run_scoped3A = tpu.sem_alloc : memref<!tpu.dma_semaphore, #tpu.memory_space<semaphore_mem>>
      %dma_start3A = tpu.memref_slice %arg3[%arg0, %mul3A_27] : memref<2x10240xf32, #tpu.memory_space<hbm>> -> memref<1x640xf32, #tpu.memory_space<hbm>>
      %dma_start3A_28 = tpu.memref_squeeze %dma_start3A : memref<1x640xf32, #tpu.memory_space<hbm>> -> memref<640xf32, #tpu.memory_space<hbm>>
      %dma_start3A_29 = tpu.memref_slice %arg4[%mul3A_25] : memref<10240xf32, #tpu.memory_space<vmem_shared>> -> memref<640xf32, #tpu.memory_space<vmem_shared>>
      tpu.enqueue_dma source(%dma_start3A_29 : memref<640xf32, #tpu.memory_space<vmem_shared>>) target(%dma_start3A_28 : memref<640xf32, #tpu.memory_space<hbm>>) target_semaphore(%run_scoped3A : memref<!tpu.dma_semaphore, #tpu.memory_space<semaphore_mem>>)
      %dma_wait3A = tpu.memref_slice %arg3[%arg0, %mul3A_27] : memref<2x10240xf32, #tpu.memory_space<hbm>> -> memref<1x640xf32, #tpu.memory_space<hbm>>
      %dma_wait3A_30 = tpu.memref_squeeze %dma_wait3A : memref<1x640xf32, #tpu.memory_space<hbm>> -> memref<640xf32, #tpu.memory_space<hbm>>
      %dma_wait3A_31 = tpu.memref_slice %arg4[%mul3A_25] : memref<10240xf32, #tpu.memory_space<vmem_shared>> -> memref<640xf32, #tpu.memory_space<vmem_shared>>
      tpu.wait_dma2 semaphore(%run_scoped3A : memref<!tpu.dma_semaphore, #tpu.memory_space<semaphore_mem>>) src(%dma_wait3A_31 : memref<640xf32, #tpu.memory_space<vmem_shared>>) dst(%dma_wait3A_30 : memref<640xf32, #tpu.memory_space<hbm>>)
      tpu.yield
    }) : () -> ()
    return
  }
}

module attributes {stable_mosaic.version = 14 : i64} {
  func.func @_dense_body(%arg0: i32, %arg1: memref<512x128xf32, #tpu.memory_space<vmem>>, %arg2: memref<128x128xf32, #tpu.memory_space<vmem>>, %arg3: memref<128x128xf32, #tpu.memory_space<vmem>>, %arg4: memref<1x128xf32, #tpu.memory_space<vmem>>, %arg5: memref<1x128xf32, #tpu.memory_space<vmem>>, %arg6: memref<2x512x1xf32, #tpu.memory_space<vmem>>, %arg7: memref<2x512x128xf32, #tpu.memory_space<vmem>>, %arg8: memref<512x1xf32, #tpu.memory_space<vmem>>) attributes {dimension_semantics = [#tpu.dimension_semantics<arbitrary>], iteration_bounds = array<i64: 20>, scalar_prefetch = 0 : i64, scratch_operands = 0 : i64, tpu.core_type = #tpu.core_type<tc>, window_params = [{transform_indices = @transform_0, window_bounds = array<i64: 512, 128>}, {pipeline_mode = #tpu.pipeline_mode<synchronous>, transform_indices = @transform_1, window_bounds = array<i64: 128, 128>}, {pipeline_mode = #tpu.pipeline_mode<synchronous>, transform_indices = @transform_2, window_bounds = array<i64: 128, 128>}, {pipeline_mode = #tpu.pipeline_mode<synchronous>, transform_indices = @transform_3, window_bounds = array<i64: 1, 128>}, {pipeline_mode = #tpu.pipeline_mode<synchronous>, transform_indices = @transform_4, window_bounds = array<i64: 1, 128>}, {transform_indices = @transform_5, window_bounds = array<i64: 2, 512, 1>}, {transform_indices = @transform_6, window_bounds = array<i64: 2, 512, 128>}, {transform_indices = @transform_7, window_bounds = array<i64: 512, 1>}]} {
    %get3A = arith.constant 0 : index
    %get3A_0 = arith.constant 0 : index
    %get3A_1 = vector.load %arg1[%get3A, %get3A_0] : memref<512x128xf32, #tpu.memory_space<vmem>>, vector<512x128xf32>
    %get3A_2 = arith.constant 0 : index
    %get3A_3 = arith.constant 0 : index
    %get3A_4 = vector.load %arg2[%get3A_2, %get3A_3] : memref<128x128xf32, #tpu.memory_space<vmem>>, vector<128x128xf32>
    %dot_general3A = arith.constant dense<0.000000e+00> : vector<512x128xf32>
    %dot_general3A_5 = tpu.matmul %get3A_1, %get3A_4, %dot_general3A {dimension_numbers = #tpu.dot_dimension_numbers<[1], [0], [0], [1], [0, 0, 1, 1], [], []>, transpose_lhs_hint = false} : vector<512x128xf32>, vector<128x128xf32>, vector<512x128xf32> -> vector<512x128xf32>
    %get3A_6 = arith.constant 0 : index
    %get3A_7 = arith.constant 0 : index
    %get3A_8 = vector.load %arg4[%get3A_6, %get3A_7] : memref<1x128xf32, #tpu.memory_space<vmem>>, vector<1x128xf32>
    %add3A = vector.broadcast %get3A_8 : vector<1x128xf32> to vector<512x128xf32>
    %add3A_9 = arith.addf %dot_general3A_5, %add3A : vector<512x128xf32>
    %max3A = arith.constant 0.000000e+00 : f32
    %max3A_10 = vector.broadcast %max3A : f32 to vector<512x128xf32>
    %max3A_11 = arith.maximumf %add3A_9, %max3A_10 : vector<512x128xf32>
    %get3A_12 = arith.constant 0 : index
    %get3A_13 = arith.constant 0 : index
    %get3A_14 = vector.load %arg3[%get3A_12, %get3A_13] : memref<128x128xf32, #tpu.memory_space<vmem>>, vector<128x128xf32>
    %dot_general3A_15 = arith.constant dense<0.000000e+00> : vector<512x128xf32>
    %dot_general3A_16 = tpu.matmul %get3A_1, %get3A_14, %dot_general3A_15 {dimension_numbers = #tpu.dot_dimension_numbers<[1], [0], [0], [1], [0, 0, 1, 1], [], []>, transpose_lhs_hint = false} : vector<512x128xf32>, vector<128x128xf32>, vector<512x128xf32> -> vector<512x128xf32>
    %get3A_17 = arith.constant 0 : index
    %get3A_18 = arith.constant 0 : index
    %get3A_19 = vector.load %arg5[%get3A_17, %get3A_18] : memref<1x128xf32, #tpu.memory_space<vmem>>, vector<1x128xf32>
    %add3A_20 = vector.broadcast %get3A_19 : vector<1x128xf32> to vector<512x128xf32>
    %add3A_21 = arith.addf %dot_general3A_16, %add3A_20 : vector<512x128xf32>
    %max3A_22 = arith.constant 0.000000e+00 : f32
    %max3A_23 = vector.broadcast %max3A_22 : f32 to vector<512x128xf32>
    %max3A_24 = arith.maximumf %add3A_21, %max3A_23 : vector<512x128xf32>
    %neg3A = arith.constant 0.000000e+00 : f32
    %neg3A_25 = vector.broadcast %neg3A : f32 to vector<512x128xf32>
    %neg3A_26 = arith.subf %neg3A_25, %max3A_24 : vector<512x128xf32>
    %exp3A = math.exp %neg3A_26 : vector<512x128xf32>
    %mul3A = arith.mulf %max3A_11, %exp3A : vector<512x128xf32>
    %mul3A_27 = arith.mulf %exp3A, %exp3A : vector<512x128xf32>
    %mul3A_28 = arith.mulf %max3A_24, %mul3A_27 : vector<512x128xf32>
    %get3A_29 = arith.constant 0 : index
    %get3A_30 = arith.constant 0 : index
    %get3A_31 = arith.constant 0 : index
    %get3A_32 = vector.load %arg6[%get3A_29, %get3A_30, %get3A_31] : memref<2x512x1xf32, #tpu.memory_space<vmem>>, vector<1x512x1xf32>
    %get3A_33 = vector.shape_cast %get3A_32 : vector<1x512x1xf32> to vector<512x1xf32>
    %get3A_34 = arith.constant 1 : index
    %get3A_35 = arith.constant 0 : index
    %get3A_36 = arith.constant 0 : index
    %get3A_37 = vector.load %arg6[%get3A_34, %get3A_35, %get3A_36] : memref<2x512x1xf32, #tpu.memory_space<vmem>>, vector<1x512x1xf32>
    %get3A_38 = vector.shape_cast %get3A_37 : vector<1x512x1xf32> to vector<512x1xf32>
    %add3A_39 = arith.addf %get3A_33, %get3A_38 : vector<512x1xf32>
    %add3A_40 = arith.constant 1.000000e+00 : f32
    %add3A_41 = vector.broadcast %add3A_40 : f32 to vector<512x1xf32>
    %add3A_42 = arith.addf %add3A_39, %add3A_41 : vector<512x1xf32>
    %rsqrt3A = math.rsqrt %add3A_42 : vector<512x1xf32>
    %mul3A_43 = vector.broadcast %rsqrt3A : vector<512x1xf32> to vector<512x128xf32>
    %mul3A_44 = arith.mulf %mul3A, %mul3A_43 : vector<512x128xf32>
    %swap3A = arith.constant 0 : index
    %swap3A_45 = arith.constant 0 : index
    %swap3A_46 = arith.constant 0 : index
    %swap3A_47 = vector.load %arg7[%swap3A, %swap3A_45, %swap3A_46] : memref<2x512x128xf32, #tpu.memory_space<vmem>>, vector<1x512x128xf32>
    %swap3A_48 = vector.shape_cast %swap3A_47 : vector<1x512x128xf32> to vector<512x128xf32>
    %swap3A_49 = vector.shape_cast %mul3A_44 : vector<512x128xf32> to vector<1x512x128xf32>
    tpu.vector_store %arg7[%swap3A, %swap3A_45, %swap3A_46], %swap3A_49 {strides = array<i32>} : memref<2x512x128xf32, #tpu.memory_space<vmem>>, vector<1x512x128xf32>,
    %mul3A_50 = arith.mulf %rsqrt3A, %rsqrt3A : vector<512x1xf32>
    %mul3A_51 = vector.broadcast %mul3A_50 : vector<512x1xf32> to vector<512x128xf32>
    %mul3A_52 = arith.mulf %mul3A_28, %mul3A_51 : vector<512x128xf32>
    %swap3A_53 = arith.constant 1 : index
    %swap3A_54 = arith.constant 0 : index
    %swap3A_55 = arith.constant 0 : index
    %swap3A_56 = vector.load %arg7[%swap3A_53, %swap3A_54, %swap3A_55] : memref<2x512x128xf32, #tpu.memory_space<vmem>>, vector<1x512x128xf32>
    %swap3A_57 = vector.shape_cast %swap3A_56 : vector<1x512x128xf32> to vector<512x128xf32>
    %swap3A_58 = vector.shape_cast %mul3A_52 : vector<512x128xf32> to vector<1x512x128xf32>
    tpu.vector_store %arg7[%swap3A_53, %swap3A_54, %swap3A_55], %swap3A_58 {strides = array<i32>} : memref<2x512x128xf32, #tpu.memory_space<vmem>>, vector<1x512x128xf32>,
    %swap3A_59 = arith.constant 0 : index
    %swap3A_60 = arith.constant 0 : index
    %swap3A_61 = vector.load %arg8[%swap3A_59, %swap3A_60] : memref<512x1xf32, #tpu.memory_space<vmem>>, vector<512x1xf32>
    tpu.vector_store %arg8[%swap3A_59, %swap3A_60], %rsqrt3A {strides = array<i32>} : memref<512x1xf32, #tpu.memory_space<vmem>>, vector<512x1xf32>,
    return
  }
  func.func @transform_0(%arg0: i32) -> (i32, i32) {
    %c0_i32 = arith.constant 0 : i32
    %c0_i32_0 = arith.constant 0 : i32
    return %arg0, %c0_i32 : i32, i32
  }
  func.func @transform_1(%arg0: i32) -> (i32, i32) {
    %c0_i32 = arith.constant 0 : i32
    %c0_i32_0 = arith.constant 0 : i32
    %c0_i32_1 = arith.constant 0 : i32
    return %c0_i32, %c0_i32_0 : i32, i32
  }
  func.func @transform_2(%arg0: i32) -> (i32, i32) {
    %c0_i32 = arith.constant 0 : i32
    %c0_i32_0 = arith.constant 0 : i32
    %c0_i32_1 = arith.constant 0 : i32
    return %c0_i32, %c0_i32_0 : i32, i32
  }
  func.func @transform_3(%arg0: i32) -> (i32, i32) {
    %c0_i32 = arith.constant 0 : i32
    %c0_i32_0 = arith.constant 0 : i32
    %c0_i32_1 = arith.constant 0 : i32
    return %c0_i32, %c0_i32_0 : i32, i32
  }
  func.func @transform_4(%arg0: i32) -> (i32, i32) {
    %c0_i32 = arith.constant 0 : i32
    %c0_i32_0 = arith.constant 0 : i32
    %c0_i32_1 = arith.constant 0 : i32
    return %c0_i32, %c0_i32_0 : i32, i32
  }
  func.func @transform_5(%arg0: i32) -> (i32, i32, i32) {
    %c0_i32 = arith.constant 0 : i32
    %c0_i32_0 = arith.constant 0 : i32
    %c0_i32_1 = arith.constant 0 : i32
    return %c0_i32, %arg0, %c0_i32_0 : i32, i32, i32
  }
  func.func @transform_6(%arg0: i32) -> (i32, i32, i32) {
    %c0_i32 = arith.constant 0 : i32
    %c0_i32_0 = arith.constant 0 : i32
    %c0_i32_1 = arith.constant 0 : i32
    return %c0_i32, %arg0, %c0_i32_0 : i32, i32, i32
  }
  func.func @transform_7(%arg0: i32) -> (i32, i32) {
    %c0_i32 = arith.constant 0 : i32
    %c0_i32_0 = arith.constant 0 : i32
    return %arg0, %c0_i32 : i32, i32
  }
}

module attributes {stable_mosaic.version = 14 : i64} {
  func.func @_scale_body(%arg0: i32, %arg1: memref<2x1000x128xf32, #tpu.memory_space<vmem>>, %arg2: memref<1000x1xf32, #tpu.memory_space<vmem>>, %arg3: memref<1000x128xf32, #tpu.memory_space<vmem>>, %arg4: memref<1000x128xf32, #tpu.memory_space<vmem>>) attributes {dimension_semantics = [#tpu.dimension_semantics<arbitrary>], iteration_bounds = array<i64: 10>, scalar_prefetch = 0 : i64, scratch_operands = 0 : i64, tpu.core_type = #tpu.core_type<tc>, window_params = [{transform_indices = @transform_0, window_bounds = array<i64: 2, 1000, 128>}, {transform_indices = @transform_1, window_bounds = array<i64: 1000, 1>}, {transform_indices = @transform_2, window_bounds = array<i64: 1000, 128>}, {transform_indices = @transform_3, window_bounds = array<i64: 1000, 128>}]} {
    %get3A = arith.constant 0 : index
    %get3A_0 = arith.constant 0 : index
    %get3A_1 = vector.load %arg2[%get3A, %get3A_0] : memref<1000x1xf32, #tpu.memory_space<vmem>>, vector<1000x1xf32>
    %get3A_2 = arith.constant 0 : index
    %get3A_3 = arith.constant 0 : index
    %get3A_4 = arith.constant 0 : index
    %get3A_5 = vector.load %arg1[%get3A_2, %get3A_3, %get3A_4] : memref<2x1000x128xf32, #tpu.memory_space<vmem>>, vector<1x1000x128xf32>
    %get3A_6 = vector.shape_cast %get3A_5 : vector<1x1000x128xf32> to vector<1000x128xf32>
    %mul3A = vector.broadcast %get3A_1 : vector<1000x1xf32> to vector<1000x128xf32>
    %mul3A_7 = arith.mulf %get3A_6, %mul3A : vector<1000x128xf32>
    %swap3A = arith.constant 0 : index
    %swap3A_8 = arith.constant 0 : index
    %swap3A_9 = vector.load %arg3[%swap3A, %swap3A_8] : memref<1000x128xf32, #tpu.memory_space<vmem>>, vector<1000x128xf32>
    tpu.vector_store %arg3[%swap3A, %swap3A_8], %mul3A_7 {strides = array<i32>} : memref<1000x128xf32, #tpu.memory_space<vmem>>, vector<1000x128xf32>,
    %get3A_10 = arith.constant 1 : index
    %get3A_11 = arith.constant 0 : index
    %get3A_12 = arith.constant 0 : index
    %get3A_13 = vector.load %arg1[%get3A_10, %get3A_11, %get3A_12] : memref<2x1000x128xf32, #tpu.memory_space<vmem>>, vector<1x1000x128xf32>
    %get3A_14 = vector.shape_cast %get3A_13 : vector<1x1000x128xf32> to vector<1000x128xf32>
    %mul3A_15 = arith.mulf %get3A_1, %get3A_1 : vector<1000x1xf32>
    %mul3A_16 = vector.broadcast %mul3A_15 : vector<1000x1xf32> to vector<1000x128xf32>
    %mul3A_17 = arith.mulf %get3A_14, %mul3A_16 : vector<1000x128xf32>
    %swap3A_18 = arith.constant 0 : index
    %swap3A_19 = arith.constant 0 : index
    %swap3A_20 = vector.load %arg4[%swap3A_18, %swap3A_19] : memref<1000x128xf32, #tpu.memory_space<vmem>>, vector<1000x128xf32>
    tpu.vector_store %arg4[%swap3A_18, %swap3A_19], %mul3A_17 {strides = array<i32>} : memref<1000x128xf32, #tpu.memory_space<vmem>>, vector<1000x128xf32>,
    return
  }
  func.func @transform_0(%arg0: i32) -> (i32, i32, i32) {
    %c0_i32 = arith.constant 0 : i32
    %c0_i32_0 = arith.constant 0 : i32
    %c0_i32_1 = arith.constant 0 : i32
    return %c0_i32, %arg0, %c0_i32_0 : i32, i32, i32
  }
  func.func @transform_1(%arg0: i32) -> (i32, i32) {
    %c0_i32 = arith.constant 0 : i32
    %c0_i32_0 = arith.constant 0 : i32
    return %arg0, %c0_i32 : i32, i32
  }
  func.func @transform_2(%arg0: i32) -> (i32, i32) {
    %c0_i32 = arith.constant 0 : i32
    %c0_i32_0 = arith.constant 0 : i32
    return %arg0, %c0_i32 : i32, i32
  }
  func.func @transform_3(%arg0: i32) -> (i32, i32) {
    %c0_i32 = arith.constant 0 : i32
    %c0_i32_0 = arith.constant 0 : i32
    return %arg0, %c0_i32 : i32, i32
  }
}

</mosaic_0001>

<sc_bundles>
// kernel: kernel.6.cloned.1.call-start
scs
__scs_entry_jumppad:
0x0: {  	(pc) =	sbr.rel $0x88, $3  }
0x1: {  	(tag) =	ssettag $0x0;
	lr =	simm.s32 $0x1  }
0x2: {  	[smem:$0x3F9B] =	sst lr;
	_ =	strace $0xD0000000  }
0x3: {  	_ = 	snop  }
0x4: {  	_ = 	snop  }
0x5: {  	_ = 	snop  }
0x6: {  	_ = 	snop  }
0x7: {  	_ = 	snop  }
__scs_overlays_trampoline_lowered:
0x8: {  	[smem:$0x3FAA] =	sst s0  }
0x9: {  	[smem:$0x3FAB] =	sst s1  }
0xa: {  	[smem:$0x3FAC] =	sst s2  }
0xb: {  	[smem:$0x3FAD] =	sst s3  }
0xc: {  	[smem:$0x3FAE] =	sst s4  }
0xd: {  	[smem:$0x3FAF] =	sst s5  }
0xe: {  	[smem:$0x3FB0] =	sst s6  }
0xf: {  	[smem:$0x3FB1] =	sst s7  }
0x10: {  	[smem:$0x3FB2] =	sst s8  }
0x11: {  	[smem:$0x3FB3] =	sst s9;
	s0 =	simm.s32 @!p0 $0x0  }
0x12: {  	s1 =	sld [smem:$0x3F99];
	s0 =	simm.s32 @p0 $0x1  }
0x13: {  	[smem:$0x3FB4] =	sst s0;
	s0 =	simm.s32 @!p1 $0x0  }
0x14: {  	s2 =	sld [smem:$0x3F98];
	s0 =	simm.s32 @p1 $0x1  }
0x15: {  	[smem:$0x3FB5] =	sst s0;
	s0 =	simm.s32 @!p2 $0x0  }
0x16: {  	s3 =	sld [smem:$0x3FDB];
	s0 =	simm.s32 @p2 $0x1  }
0x17: {  	s4 =	simm.s32 $0x1BF5;
	[smem:$0x3FB7] =	sst s0  }
0x18: {  	s0 =	sld [smem:$0x3F9A];
	_ =	swait.ge [sflag:s4], $0x0  }
0x19: {  	s7 =	sld [smem:$0x3F9B]  }
0x1a: {  	s8 =	sadd.s32 $0xFFFFE003, lr  }
0x1b: {  	s9 =	sadd.s32 $0xFFFFFEF7, lr;
	s5 =	simm.s32 $0xFFFFFFFF;
	p2 =	slt.u32 s8, $0xFFFFF086  }
0x1c: {  	p1 =	slt.u32 s9, $0xF7A;
	s5 =	simm.s32 @!p2 $0x0  }
0x1d: {  	s5 =	simm.s32 @p1 $0x1;
	p0 =	seq.s32 s7, s2  }
0x1e: {  	s7 =	smul.u32 @!p0 $0xF7A, s2;
	p2 =	seq.s32 @!p0 s5, $0x0  }
0x1f: {  	s9 =	smul.u32 $0xF7A, s1;
	s8 =	simm.s32 @!p0 $0x1BF5;
	p2 =	por !p2, p0  }
0x20: {  	[sflag:s8] =	ssyncset.s32 @!p0 $0xFFFFF086;
	s6 =	sadd.s32 @!p0 s3, s7;
	s7 =	simm.s32 @!p0 $0x108  }
0x21: {  	s3 =	sadd.s32 s3, s9;
	s6 =	sadd.s32 @!p0 $0x88, s6;
	s7 =	simm.s32 @p2 $0x1082  }
0x22: {  	[simem:s7], [sflag:s8] =	dma.local @!p0 [hbm:s6], $0xF7A  }
0x23: {  	s9 =	sor.u32 $0xD0000000, s2;
	s6 =	simm.s32 $0x108;
	_ =	swait.ge @!p0 [sflag:s8], $0x0  }
0x24: {  	s3 =	sadd.s32 $0x88, s3;
	s6 =	simm.s32 @!p1 $0x1082;
	[sflag:s4] =	ssyncset.s32 $0xFFFFF086  }
0x25: {  	[simem:s6], [sflag:s4] =	dma.local [hbm:s3], $0xF7A  }
0x26: {  	[smem:$0x3F9B] =	sst s1;
	(tag) =	ssettag s2;
	_ =	strace s9  }
0x27: {  	s1 =	sld [smem:$0x3FAB]  }
0x28: {  	s2 =	sld [smem:$0x3FAC]  }
0x29: {  	s4 =	sld [smem:$0x3FAE]  }
0x2a: {  	p0 =	seq.s32 s5, $0x0;
	s5 =	sld [smem:$0x3FAF]  }
0x2b: {  	s6 =	sld [smem:$0x3FB0]  }
0x2c: {  	s7 =	sld [smem:$0x3FB1]  }
0x2d: {  	s3 =	simm.s32 $0x108;
	s8 =	sld [smem:$0x3FB2]  }
0x2e: {  	s3 =	simm.s32 @!p0 $0x1082;
	s9 =	sld [smem:$0x3FB3]  }
0x2f: {  	lr =	sadd.s32 s0, s3;
	s0 =	sld [smem:$0x3FAA]  }
0x30: {  	s3 =	sld [smem:$0x3FAD]  }
0x31: {  	[smem:$0x3FB6] =	sst s10  }
0x32: {  	s10 =	sld [smem:$0x3FB4];
	_ =	sdelay $0x3  }
0x33: {  	p0 =	seq.s32 s10, $0x1;
	s10 =	sld [smem:$0x3FB6];
	_ =	sdelay $0x3  }
0x34: {  	[smem:$0x3FB6] =	sst s10  }
0x35: {  	s10 =	sld [smem:$0x3FB5];
	_ =	sdelay $0x3  }
0x36: {  	p1 =	seq.s32 s10, $0x1;
	s10 =	sld [smem:$0x3FB6];
	_ =	sdelay $0x3  }
0x37: {  	[smem:$0x3FB6] =	sst s10  }
0x38: {  	s10 =	sld [smem:$0x3FB7]  }
0x39: {  	_ = 	snop;
	(pc) =	sbr.ind lr, $3  }
0x3a: {  	_ = 	snop  }
0x3b: {  	_ = 	snop  }
0x3c: {  	p2 =	seq.s32 s10, $0x1;
	s10 =	sld [smem:$0x3FB6]  }
0x3d: {  	_ =	shalt  }
0x3e: {  	_ =	shalt  }
0x3f: {  	_ =	shalt  }
0x40: {  	_ =	shalt  }
0x41: {  	_ =	shalt  }
0x42: {  	_ =	shalt  }
0x43: {  	_ =	shalt  }
0x44: {  	_ =	shalt  }
0x45: {  	_ =	shalt  }
0x46: {  	_ =	shalt  }
0x47: {  	_ =	shalt  }
0x48: {  	_ =	shalt  }
0x49: {  	_ =	shalt  }
0x4a: {  	_ =	shalt  }
0x4b: {  	_ =	shalt  }
0x4c: {  	_ =	shalt  }
0x4d: {  	_ =	shalt  }
0x4e: {  	_ =	shalt  }
0x4f: {  	_ =	shalt  }
0x50: {  	_ =	shalt  }
0x51: {  	_ =	shalt  }
0x52: {  	_ =	shalt  }
0x53: {  	_ =	shalt  }
0x54: {  	_ =	shalt  }
0x55: {  	_ =	shalt  }
0x56: {  	_ =	shalt  }
0x57: {  	_ =	shalt  }
0x58: {  	_ =	shalt  }
0x59: {  	_ =	shalt  }
0x5a: {  	_ =	shalt  }
0x5b: {  	_ =	shalt  }
0x5c: {  	_ =	shalt  }
0x5d: {  	_ =	shalt  }
0x5e: {  	_ =	shalt  }
0x5f: {  	_ =	shalt  }
0x60: {  	_ =	shalt  }
0x61: {  	_ =	shalt  }
0x62: {  	_ =	shalt  }
0x63: {  	_ =	shalt  }
0x64: {  	_ =	shalt  }
0x65: {  	_ =	shalt  }
0x66: {  	_ =	shalt  }
0x67: {  	_ =	shalt  }
0x68: {  	_ =	shalt  }
0x69: {  	_ =	shalt  }
0x6a: {  	_ =	shalt  }
0x6b: {  	_ =	shalt  }
0x6c: {  	_ =	shalt  }
0x6d: {  	_ =	shalt  }
0x6e: {  	_ =	shalt  }
0x6f: {  	_ =	shalt  }
0x70: {  	_ =	shalt  }
0x71: {  	_ =	shalt  }
0x72: {  	_ =	shalt  }
0x73: {  	_ =	shalt  }
0x74: {  	_ =	shalt  }
0x75: {  	_ =	shalt  }
0x76: {  	_ =	shalt  }
0x77: {  	_ =	shalt  }
0x78: {  	_ =	shalt  }
0x79: {  	_ =	shalt  }
0x7a: {  	_ =	shalt  }
0x7b: {  	_ =	shalt  }
0x7c: {  	_ =	shalt  }
0x7d: {  	_ =	shalt  }
0x7e: {  	_ =	shalt  }
0x7f: {  	_ =	shalt  }
0x80: {  	_ =	shalt  }
0x81: {  	_ =	shalt  }
0x82: {  	_ =	shalt  }
0x83: {  	_ =	shalt  }
0x84: {  	_ =	shalt  }
0x85: {  	_ =	shalt  }
0x86: {  	_ =	shalt  }
0x87: {  	_ =	shalt  }
.Lfunc_end0:
.L_simem_size_0:
called_computation_lowered:
.L_overlay_start_0:
0x88: {  	s2 =	sld [smem:$0x3FD9]  }
0x89: {  	s3 =	sld [smem:$0x3FFE];
	_ =	sdelay $0x1  }
0x8a: {  	s1 =	srdreg.scid  }
0x8b: {  	s0 =	sand.u32 $0x1, s1  }
0x8c: {  	s14 =	sshll.u32 s0, $0xA;
	s2 =	sadd.s32 s3, s2  }
0x8d: {  	s2 =	sadd.s32 s2, s14  }
0x8e: {  	[smem:$0x3FC2] =	sst s2  }
0x8f: {  	_ = 	snop  }
0x90: {  	s2 =	sld [smem:$0x3FD0];
	_ =	sdelay $0x2  }
0x91: {  	s15 =	simm.s32 $0xA;
	s4 =	simm.s32 $0x10  }
0x92: {  	[smem:s4], [sflag:s15] =	dma.local [hbm:s2], $0x1  }
0x93: {  	_ =	swait.eq [sflag:s15], $0x1  }
0x94: {  	[sflag:s15] =	ssyncset.done $0x0  }
0x95: {  	[sflag:s15] =	ssyncadd.s32 $0xFFFFFFFF  }
0x96: {  	s16 =	sld [smem:$0x11];
	(tm) =	ssettm $0x1  }
0x97: {  	s17 =	sld [smem:$0x3FFB];
	_ =	sdelay $0x3  }
0x98: {  	_ =	strace s17  }
0x99: {  	s3 =	sld [smem:$0x3FFC];
	_ =	sdelay $0x3  }
0x9a: {  	_ =	strace s3  }
0x9b: {  	s3 =	sld [smem:$0x3FFD];
	_ =	sdelay $0x3  }
0x9c: {  	_ =	strace s3  }
0x9d: {  	_ =	strace $0x8FFFFFFF  }
0x9e: {  	s18 =	sld [smem:$0x3FDB];
	_ =	sdelay $0x1  }
0x9f: {  	s19 =	simm.s32 $_scs_section_size  }
0xa0: {  	s5 =	simm.s32 $_size__tile_overlayer_lowered;
	s6 =	simm.s32 $_tile_overlayer_lowered  }
0xa1: {  	s22 =	simm.s32 $0x1BFF;
	s21 =	sshll.u32 s6, $0x1;
	s3 =	sadd.s32 s19, s18  }
0xa2: {  	s7 =	simm.s32 $0x0;
	s20 =	sshll.u32 s5, $0x1;
	s5 =	sadd.s32 s21, s3  }
0xa3: {  	[timem:s7], [sflag:s22] =	dma.local [hbm:s5], s20  }
0xa4: {  	_ =	swait.ge [sflag:s22], s20  }
0xa5: {  	s4 =	ssub.s32 $0x0, s20;
	[sflag:s22] =	ssyncset.done $0x0  }
0xa6: {  	[sflag:s22] =	ssyncadd.s32 s4;
	_ =	sdelay $0x1  }
0xa7: {  	s23 =	simm.s32 $0x1B8B  }
0xa8: {  	_ =	swait.ge [sflag:s23], $0x1  }
0xa9: {  	[sflag:s23] =	ssyncset.done $0x0  }
0xaa: {  	s25 =	simm.s32 $0x1B8E;
	s24 =	sld [smem:$0x3FFE];
	[sflag:s23] =	ssyncadd.s32 $0xFFFFFFFF  }
0xab: {  	s26 =	simm.s32 $execute0_lowered;
	[smem:$0x3FD2] =	sst s25  }
0xac: {  	s5 =	sshll.u32 s26, $0x1;
	_ =	strace $0x80000046;
	[dreg:$0x1] =	wrdreg $0xFFFFFFFF  }
0xad: {  	s28 =	simm.s32 $_size_execute0_lowered;
	s3 =	sadd.s32 s3, s5;
	[dreg:$0x0] =	wrdreg $0x0  }
0xae: {  	s5 =	sshll.u32 s28, $0x1;
	[dreg:$0x2] =	wrdreg s3  }
0xaf: {  	[dreg:$0x3] =	wrdreg s5  }
0xb0: {  	[dreg:$0x4] =	wrdreg $0xC0  }
0xb1: {  	_ =	task [dreg:s7], $0x5FFFF  }
0xb2: {  	[dreg:$0x1] =	wrdreg $0xFFFFFFFF  }
0xb3: {  	[dreg:$0x0] =	wrdreg $0x60  }
0xb4: {  	[dreg:$0x2] =	wrdreg s24  }
0xb5: {  	[dreg:$0x3] =	wrdreg s16  }
0xb6: {  	[dreg:$0x4] =	wrdreg $0x0  }
0xb7: {  	[dreg:$0x5] =	wrdreg $0x9  }
0xb8: {  	_ =	task.clear_ibuf [dreg:s7], $0x6FFFF;
	_ =	strace $0x90000046  }
0xb9: {  	s29 =	simm.s32 $0x9;
	_ =	strace $0x80000048  }
0xba: {  	_ =	swait.ge [sflag:s29], $0x1  }
0xbb: {  	[sflag:s29] =	ssyncadd.s32 $0xFFFFFFFF  }
0xbc: {  	_ =	strace $0x90000048  }
0xbd: {  	_ =	sfence  }
0xbe: {  	s30 =	sld [smem:$0x0];
	_ =	sdelay $0x2  }
0xbf: {  	s31 =	sshll.u32 s1, $0xD;
	s1 =	sshrl.u32 s1, $0x2  }
0xc0: {  	s3 =	sand.u32 $0x4000, s31;
	s1 =	sadd.s32 s1, s30  }
0xc1: {  	s0 =	sor.u32 s3, s0;
	s1 =	sshll.u32 s1, $0x11  }
0xc2: {  	s0 =	sor.u32 s1, s0  }
0xc3: {  	s0 =	sadd.s32 $0x8F2B, s0  }
0xc4: {  	[sflag:s0] =	ssyncadd.remote.s32 $0x1  }
0xc5: {  	_ =	sfence.sel $0xFFFF  }
0xc6: {  	[dreg:$0x0] =	wrdreg $0xFFFFFFFF;
	(pc) =	sbr.abs _section_cstart, $3  }
0xc7: {  	[dreg:$0x1] =	wrdreg $0xFFFFFFFF  }
0xc8: {  	_ =	task.clear_ibuf [dreg:s7], $0x2FFFF;
	_ =	strace $0x9FFFFFFF  }
0xc9: {  	(tm) =	ssettm $0x7FFFFFFF  }
tec
execute0_lowered:
.L_overlay_start_1:
0x0: {  	(tag) =	ssettag $0x1  }
0x1: {  	s4 =	rddreg [dreg:$0x0]  }
0x2: {  	s6 =	rddreg [dreg:$0x1];
	s1 =	srdreg.scid  }
0x3: {  	s0 =	stileid.u32;
	s2 =	rddreg [dreg:$0x2]  }
0x4: {  	s3 =	simm.s32 $0x0;
	s11 =	simm.s32 $0x20;
	s12 =	simm.s32 $0xA280  }
0x5: {  	s15 =	simm.s32 $0x10;
	s16 =	simm.s32 $0x0;
	s7 =	smul.u32 $0x14000, s0  }
0x6: {  	s5 =	sand.u32 $0x1, s1;
	s1 =	rddreg [dreg:$0x3];
	s26 =	smul.u32 $0xA00, s0  }
0x7: {  	[smem:$0x7FF] =	sst s3;
	s10 =	smul.u32 $0x500, s0;
	s13 =	sshll.u32 s0, $0x6  }
0x8: {  	s8 =	smul.u32 $0xA000, s5;
	_ =	strace $0x80000047;
	s9 =	ssub.s32 $0x2, s5  }
0x9: {  	s5 =	sshll.u32 s5, $0x7;
	s13 =	sor.u32 $0x1C01, s13;
	s28 =	sshrl.u32 s9, $0x1  }
0xa: {  	s29 =	sshrl.u32 s26, $0x2;
	s30 =	sor.u32 s5, s10;
	s7 =	sadd.s32 s8, s7  }
0xb: {  	s10 =	simm.s32 $0x280;
	s9 =	ssub.s32 s9, s28;
	s7 =	sshrl.u32 s7, $0x3  }
0xc: {  	s31 =	sshrl.u32 s30, $0x3;
	s8 =	simm.s32 $0xA300;
	s7 =	sadd.s32 s7, s4  }
0xd: {  	s6 =	sadd.s32 s6, s31;
	s4 =	sadd.s32 s29, s2;
	s5 =	sadd.s32 $0x1600, s7  }
0xe: {  	v0 =	vimm.f32 $0.0e+00;
	v1 =	vimm.f32 $1.000000000e+00;
	s7 =	smax.u32 s9, $0x1;
	s9 =	simm.s32 $0x1;
	s14 =	sshrl.u32 s4, $0x3  }
.LBB2_1:
0xf: {  	[tilespmem:$0xA300] =	vst v0  }
0x10: {  	[tilespmem:$0xA310] =	vst v0  }
0x11: {  	[tilespmem:$0xA320] =	vst v0  }
0x12: {  	[tilespmem:$0xA330] =	vst v0  }
0x13: {  	[tilespmem:$0xA340] =	vst v0  }
0x14: {  	[tilespmem:$0xA350] =	vst v0  }
0x15: {  	[tilespmem:$0xA360] =	vst v0  }
0x16: {  	[tilespmem:$0xA370] =	vst v0  }
0x17: {  	[tilespmem:$0xA380] =	vst v0  }
0x18: {  	[tilespmem:$0xA390] =	vst v0  }
0x19: {  	[tilespmem:$0xA3A0] =	vst v0  }
0x1a: {  	[tilespmem:$0xA3B0] =	vst v0  }
0x1b: {  	[tilespmem:$0xA3C0] =	vst v0  }
0x1c: {  	[tilespmem:$0xA3D0] =	vst v0  }
0x1d: {  	[tilespmem:$0xA3E0] =	vst v0  }
0x1e: {  	[tilespmem:$0xA3F0] =	vst v0  }
0x1f: {  	[tilespmem:$0xA400] =	vst v0  }
0x20: {  	[tilespmem:$0xA410] =	vst v0  }
0x21: {  	[tilespmem:$0xA420] =	vst v0  }
0x22: {  	[tilespmem:$0xA430] =	vst v0  }
0x23: {  	[tilespmem:$0xA440] =	vst v0  }
0x24: {  	[tilespmem:$0xA450] =	vst v0  }
0x25: {  	[tilespmem:$0xA460] =	vst v0  }
0x26: {  	[tilespmem:$0xA470] =	vst v0  }
0x27: {  	[tilespmem:$0xA480] =	vst v0  }
0x28: {  	[tilespmem:$0xA490] =	vst v0  }
0x29: {  	[tilespmem:$0xA4A0] =	vst v0  }
0x2a: {  	[tilespmem:$0xA4B0] =	vst v0  }
0x2b: {  	[tilespmem:$0xA4C0] =	vst v0  }
0x2c: {  	[tilespmem:$0xA4D0] =	vst v0  }
0x2d: {  	[tilespmem:$0xA4E0] =	vst v0  }
0x2e: {  	[tilespmem:$0xA4F0] =	vst v0  }
0x2f: {  	[tilespmem:$0xA500] =	vst v0  }
0x30: {  	[tilespmem:$0xA510] =	vst v0  }
0x31: {  	[tilespmem:$0xA520] =	vst v0  }
0x32: {  	[tilespmem:$0xA530] =	vst v0  }
0x33: {  	[tilespmem:$0xA540] =	vst v0  }
0x34: {  	[tilespmem:$0xA550] =	vst v0  }
0x35: {  	[tilespmem:$0xA560] =	vst v0  }
0x36: {  	[tilespmem:$0xA570] =	vst v0  }
0x37: {  	[tilespmem:$0xA280] =	vst v1  }
0x38: {  	[tilespmem:$0xA290] =	vst v1  }
0x39: {  	[spmem:s4] =	stream.linear.scatter [tilespmem:s8], [sflag:$0x1], $0x280, $0x38;
	[tilespmem:$0xA580] =	vst v63  }
0x3a: {  	_ =	swait.ge [sflag:s9], $0x280  }
0x3b: {  	[sflag:s9] =	ssyncset.done $0x0  }
0x3c: {  	[sflag:s9] =	ssyncadd.s32 $0xFFFFFD80  }
0x3d: {  	[tilespmem:s10], [sflag:$0x1] =	stream.linear.gather [hbm4b:s5+s3], $0xA000, $0x38;
	[tilespmem:$0xA580] =	vst v63  }
0x3e: {  	_ =	swait.ge [sflag:s9], $0xA000  }
0x3f: {  	[sflag:s9] =	ssyncset.done $0x0  }
0x40: {  	[sflag:s9] =	ssyncadd.s32 $0xFFFF6000  }
0x41: {  	s17 =	simm.s32 $0x280;
	[bflag:$0x0] =	sbarrier.arrive $0xFFFF  }
0x42: {  	[spmem:s2] =	stream.indirect.scatter.add.f32 [tilespmem:s12], [sflag:$0x1], $0x1, s17, s11, $0xb8;
	[tilespmem:$0xA580] =	vst v63  }
0x43: {  	s17 =	simm.s32 $0x200;
	_ =	swait.ge [sflag:s9], $0x20  }
.LBB2_2:
0x44: {  	s18 =	sshra.s32 s17, $0x2;
	[sflag:s9] =	ssyncset.done $0x0;
	p0 =	sne.s32 s17, $0x27E00  }
.Ltmp0:
0x45: {  	s18 =	sadd.s32 $0x280, s18;
	[sflag:s9] =	ssyncadd.s32 $0xFFFFFFE0;
	(pc) =	sbr.rel @p0 .LBB2_2-.Ltmp0, $3  }
0x46: {  	[spmem:s2] =	stream.indirect.scatter.add.f32 [tilespmem:s12], [sflag:$0x1], $0x1, s18, s11, $0xb8;
	[tilespmem:$0xA580] =	vst v63  }
0x47: {  	s17 =	sadd.s32 $0x200, s17;
	_ =	sdelay $0x1  }
0x48: {  	_ =	swait.ge [sflag:s9], $0x20  }
0x49: {  	[sflag:s9] =	ssyncset.done $0x0;
	s16 =	sadd.s32 $0x1, s16  }
0x4a: {  	[sflag:s9] =	ssyncadd.s32 $0xFFFFFFE0;
	p0 =	sne.s32 s16, s7  }
.Ltmp1:
0x4b: {  	[bflag:$0x0] =	sbarrier.arrive $0xFFFF;
	(pc) =	sbr.rel @p0 .LBB2_1-.Ltmp1, $4  }
0x4c: {  	[hbm:s6@s11], [sflag:s13] =	dma.strided [spmem:s14@s15], $0x50, s9, $0x10   }
0x4d: {  	_ =	swait.ge [sflag:s9], $0x50  }
0x4e: {  	[sflag:s9] =	ssyncset.done $0x0  }
0x4f: {  	[sflag:s9] =	ssyncadd.s32 $0xFFFFFFB0  }
0x50: {  	_ =	sfence.sel $0x180000  }
0x51: {  	[bflag:$0x0] =	sbarrier.arrive $0xFFFF  }
0x52: {  	p0 =	sne.s32 s0, $0x0;
	_ =	strace $0x90000047  }
0x53: {  	s0 =	sadd.s32 @!p0 $0x100000, s1;
	[bflag:$0x2] =	sbarrier.arrive $0xFFFF  }
0x54: {  	[sflag:s0] =	ssyncadd.tile.s32 @!p0 $0x1;
	_ =	shalt  }
.Lfunc_end2:
_tile_overlayer_lowered:
.L_overlay_start_2:
0x55: {  	(tag) =	ssettag $0x2  }
0x56: {  	s0 =	rddreg [dreg:$0x0];
	s2 =	stileid.u32  }
0x57: {  	s1 =	rddreg [dreg:$0x1];
	p0 =	sne.s32 s2, $0x0  }
0x58: {  	s3 =	rddreg [dreg:$0x2];
	[bflag:$0x3] =	sbarrier.arrive $0xFFFF;
	s2 =	simm.s32 @!p0 $0x1C01  }
0x59: {  	[timem:s3], [sflag:s2] =	dma.local @!p0 [hbm:s0], s1  }
0x5a: {  	s0 =	simm.s32 @!p0 $0x1  }
0x5b: {  	_ =	swait.ge @!p0 [sflag:s0], s1  }
0x5c: {  	s1 =	ssub.s32 @!p0 $0x0, s1;
	[sflag:s0] =	ssyncset.done @!p0 $0x0  }
0x5d: {  	[sflag:s0] =	ssyncadd.s32 @!p0 s1  }
0x5e: {  	[bflag:$0x3] =	sbarrier.arrive $0xFFFF  }
0x5f: {  	_ =	shalt  }

// kernel: kernel.9.cloned.1.call-start
scs
__scs_entry_jumppad:
0x0: {  	(pc) =	sbr.rel $0x88, $3  }
0x1: {  	(tag) =	ssettag $0x0;
	lr =	simm.s32 $0x1  }
0x2: {  	[smem:$0x3F9B] =	sst lr;
	_ =	strace $0xD0000000  }
0x3: {  	_ = 	snop  }
0x4: {  	_ = 	snop  }
0x5: {  	_ = 	snop  }
0x6: {  	_ = 	snop  }
0x7: {  	_ = 	snop  }
__scs_overlays_trampoline_lowered:
0x8: {  	[smem:$0x3FAA] =	sst s0  }
0x9: {  	[smem:$0x3FAB] =	sst s1  }
0xa: {  	[smem:$0x3FAC] =	sst s2  }
0xb: {  	[smem:$0x3FAD] =	sst s3  }
0xc: {  	[smem:$0x3FAE] =	sst s4  }
0xd: {  	[smem:$0x3FAF] =	sst s5  }
0xe: {  	[smem:$0x3FB0] =	sst s6  }
0xf: {  	[smem:$0x3FB1] =	sst s7  }
0x10: {  	[smem:$0x3FB2] =	sst s8  }
0x11: {  	[smem:$0x3FB3] =	sst s9;
	s0 =	simm.s32 @!p0 $0x0  }
0x12: {  	s1 =	sld [smem:$0x3F99];
	s0 =	simm.s32 @p0 $0x1  }
0x13: {  	[smem:$0x3FB4] =	sst s0;
	s0 =	simm.s32 @!p1 $0x0  }
0x14: {  	s2 =	sld [smem:$0x3F98];
	s0 =	simm.s32 @p1 $0x1  }
0x15: {  	[smem:$0x3FB5] =	sst s0;
	s0 =	simm.s32 @!p2 $0x0  }
0x16: {  	s3 =	sld [smem:$0x3FDB];
	s0 =	simm.s32 @p2 $0x1  }
0x17: {  	s4 =	simm.s32 $0x1BF5;
	[smem:$0x3FB7] =	sst s0  }
0x18: {  	s0 =	sld [smem:$0x3F9A];
	_ =	swait.ge [sflag:s4], $0x0  }
0x19: {  	s7 =	sld [smem:$0x3F9B]  }
0x1a: {  	s8 =	sadd.s32 $0xFFFFE003, lr  }
0x1b: {  	s9 =	sadd.s32 $0xFFFFFEF7, lr;
	s5 =	simm.s32 $0xFFFFFFFF;
	p2 =	slt.u32 s8, $0xFFFFF086  }
0x1c: {  	p1 =	slt.u32 s9, $0xF7A;
	s5 =	simm.s32 @!p2 $0x0  }
0x1d: {  	s5 =	simm.s32 @p1 $0x1;
	p0 =	seq.s32 s7, s2  }
0x1e: {  	s7 =	smul.u32 @!p0 $0xF7A, s2;
	p2 =	seq.s32 @!p0 s5, $0x0  }
0x1f: {  	s9 =	smul.u32 $0xF7A, s1;
	s8 =	simm.s32 @!p0 $0x1BF5;
	p2 =	por !p2, p0  }
0x20: {  	[sflag:s8] =	ssyncset.s32 @!p0 $0xFFFFF086;
	s6 =	sadd.s32 @!p0 s3, s7;
	s7 =	simm.s32 @!p0 $0x108  }
0x21: {  	s3 =	sadd.s32 s3, s9;
	s6 =	sadd.s32 @!p0 $0x88, s6;
	s7 =	simm.s32 @p2 $0x1082  }
0x22: {  	[simem:s7], [sflag:s8] =	dma.local @!p0 [hbm:s6], $0xF7A  }
0x23: {  	s9 =	sor.u32 $0xD0000000, s2;
	s6 =	simm.s32 $0x108;
	_ =	swait.ge @!p0 [sflag:s8], $0x0  }
0x24: {  	s3 =	sadd.s32 $0x88, s3;
	s6 =	simm.s32 @!p1 $0x1082;
	[sflag:s4] =	ssyncset.s32 $0xFFFFF086  }
0x25: {  	[simem:s6], [sflag:s4] =	dma.local [hbm:s3], $0xF7A  }
0x26: {  	[smem:$0x3F9B] =	sst s1;
	(tag) =	ssettag s2;
	_ =	strace s9  }
0x27: {  	s1 =	sld [smem:$0x3FAB]  }
0x28: {  	s2 =	sld [smem:$0x3FAC]  }
0x29: {  	s4 =	sld [smem:$0x3FAE]  }
0x2a: {  	p0 =	seq.s32 s5, $0x0;
	s5 =	sld [smem:$0x3FAF]  }
0x2b: {  	s6 =	sld [smem:$0x3FB0]  }
0x2c: {  	s7 =	sld [smem:$0x3FB1]  }
0x2d: {  	s3 =	simm.s32 $0x108;
	s8 =	sld [smem:$0x3FB2]  }
0x2e: {  	s3 =	simm.s32 @!p0 $0x1082;
	s9 =	sld [smem:$0x3FB3]  }
0x2f: {  	lr =	sadd.s32 s0, s3;
	s0 =	sld [smem:$0x3FAA]  }
0x30: {  	s3 =	sld [smem:$0x3FAD]  }
0x31: {  	[smem:$0x3FB6] =	sst s10  }
0x32: {  	s10 =	sld [smem:$0x3FB4];
	_ =	sdelay $0x3  }
0x33: {  	p0 =	seq.s32 s10, $0x1;
	s10 =	sld [smem:$0x3FB6];
	_ =	sdelay $0x3  }
0x34: {  	[smem:$0x3FB6] =	sst s10  }
0x35: {  	s10 =	sld [smem:$0x3FB5];
	_ =	sdelay $0x3  }
0x36: {  	p1 =	seq.s32 s10, $0x1;
	s10 =	sld [smem:$0x3FB6];
	_ =	sdelay $0x3  }
0x37: {  	[smem:$0x3FB6] =	sst s10  }
0x38: {  	s10 =	sld [smem:$0x3FB7]  }
0x39: {  	_ = 	snop;
	(pc) =	sbr.ind lr, $3  }
0x3a: {  	_ = 	snop  }
0x3b: {  	_ = 	snop  }
0x3c: {  	p2 =	seq.s32 s10, $0x1;
	s10 =	sld [smem:$0x3FB6]  }
0x3d: {  	_ =	shalt  }
0x3e: {  	_ =	shalt  }
0x3f: {  	_ =	shalt  }
0x40: {  	_ =	shalt  }
0x41: {  	_ =	shalt  }
0x42: {  	_ =	shalt  }
0x43: {  	_ =	shalt  }
0x44: {  	_ =	shalt  }
0x45: {  	_ =	shalt  }
0x46: {  	_ =	shalt  }
0x47: {  	_ =	shalt  }
0x48: {  	_ =	shalt  }
0x49: {  	_ =	shalt  }
0x4a: {  	_ =	shalt  }
0x4b: {  	_ =	shalt  }
0x4c: {  	_ =	shalt  }
0x4d: {  	_ =	shalt  }
0x4e: {  	_ =	shalt  }
0x4f: {  	_ =	shalt  }
0x50: {  	_ =	shalt  }
0x51: {  	_ =	shalt  }
0x52: {  	_ =	shalt  }
0x53: {  	_ =	shalt  }
0x54: {  	_ =	shalt  }
0x55: {  	_ =	shalt  }
0x56: {  	_ =	shalt  }
0x57: {  	_ =	shalt  }
0x58: {  	_ =	shalt  }
0x59: {  	_ =	shalt  }
0x5a: {  	_ =	shalt  }
0x5b: {  	_ =	shalt  }
0x5c: {  	_ =	shalt  }
0x5d: {  	_ =	shalt  }
0x5e: {  	_ =	shalt  }
0x5f: {  	_ =	shalt  }
0x60: {  	_ =	shalt  }
0x61: {  	_ =	shalt  }
0x62: {  	_ =	shalt  }
0x63: {  	_ =	shalt  }
0x64: {  	_ =	shalt  }
0x65: {  	_ =	shalt  }
0x66: {  	_ =	shalt  }
0x67: {  	_ =	shalt  }
0x68: {  	_ =	shalt  }
0x69: {  	_ =	shalt  }
0x6a: {  	_ =	shalt  }
0x6b: {  	_ =	shalt  }
0x6c: {  	_ =	shalt  }
0x6d: {  	_ =	shalt  }
0x6e: {  	_ =	shalt  }
0x6f: {  	_ =	shalt  }
0x70: {  	_ =	shalt  }
0x71: {  	_ =	shalt  }
0x72: {  	_ =	shalt  }
0x73: {  	_ =	shalt  }
0x74: {  	_ =	shalt  }
0x75: {  	_ =	shalt  }
0x76: {  	_ =	shalt  }
0x77: {  	_ =	shalt  }
0x78: {  	_ =	shalt  }
0x79: {  	_ =	shalt  }
0x7a: {  	_ =	shalt  }
0x7b: {  	_ =	shalt  }
0x7c: {  	_ =	shalt  }
0x7d: {  	_ =	shalt  }
0x7e: {  	_ =	shalt  }
0x7f: {  	_ =	shalt  }
0x80: {  	_ =	shalt  }
0x81: {  	_ =	shalt  }
0x82: {  	_ =	shalt  }
0x83: {  	_ =	shalt  }
0x84: {  	_ =	shalt  }
0x85: {  	_ =	shalt  }
0x86: {  	_ =	shalt  }
0x87: {  	_ =	shalt  }
.Lfunc_end0:
.L_simem_size_0:
called_computation.1_lowered:
.L_overlay_start_0:
0x88: {  	s2 =	sld [smem:$0x3FD9]  }
0x89: {  	s3 =	sld [smem:$0x3FFE];
	_ =	sdelay $0x1  }
0x8a: {  	s1 =	srdreg.scid  }
0x8b: {  	s0 =	sand.u32 $0x1, s1  }
0x8c: {  	s16 =	sshll.u32 s0, $0xA;
	s2 =	sadd.s32 s3, s2  }
0x8d: {  	s2 =	sadd.s32 s2, s16  }
0x8e: {  	[smem:$0x3FC2] =	sst s2  }
0x8f: {  	_ = 	snop  }
0x90: {  	(tm) =	ssettm $0x1  }
0x91: {  	s17 =	sld [smem:$0x3FFB];
	_ =	sdelay $0x3  }
0x92: {  	_ =	strace s17  }
0x93: {  	s2 =	sld [smem:$0x3FFC];
	_ =	sdelay $0x3  }
0x94: {  	_ =	strace s2  }
0x95: {  	s2 =	sld [smem:$0x3FFD];
	_ =	sdelay $0x3  }
0x96: {  	_ =	strace s2  }
0x97: {  	_ =	strace $0x8FFFFFFF  }
0x98: {  	s18 =	sld [smem:$0x3FDB];
	_ =	sdelay $0x1  }
0x99: {  	s19 =	simm.s32 $_scs_section_size  }
0x9a: {  	s4 =	simm.s32 $_size__tile_overlayer_lowered;
	s5 =	simm.s32 $_tile_overlayer_lowered  }
0x9b: {  	s22 =	simm.s32 $0x1BFF;
	s21 =	sshll.u32 s5, $0x1;
	s2 =	sadd.s32 s19, s18  }
0x9c: {  	s6 =	simm.s32 $0x0;
	s20 =	sshll.u32 s4, $0x1;
	s4 =	sadd.s32 s21, s2  }
0x9d: {  	[timem:s6], [sflag:s22] =	dma.local [hbm:s4], s20  }
0x9e: {  	_ =	swait.ge [sflag:s22], s20  }
0x9f: {  	s3 =	ssub.s32 $0x0, s20;
	[sflag:s22] =	ssyncset.done $0x0  }
0xa0: {  	[sflag:s22] =	ssyncadd.s32 s3;
	_ =	sdelay $0x1  }
0xa1: {  	s23 =	simm.s32 $0x1B8B  }
0xa2: {  	_ =	swait.ge [sflag:s23], $0x1  }
0xa3: {  	[sflag:s23] =	ssyncset.done $0x0  }
0xa4: {  	s25 =	simm.s32 $0x1B8E;
	s24 =	sld [smem:$0x3FFE];
	[sflag:s23] =	ssyncadd.s32 $0xFFFFFFFF  }
0xa5: {  	s26 =	simm.s32 $execute0_lowered;
	[smem:$0x3FD2] =	sst s25  }
0xa6: {  	s4 =	sshll.u32 s26, $0x1;
	_ =	strace $0x80000049;
	[dreg:$0x1] =	wrdreg $0xFFFFFFFF  }
0xa7: {  	s28 =	simm.s32 $_size_execute0_lowered;
	s2 =	sadd.s32 s2, s4;
	[dreg:$0x0] =	wrdreg $0x0  }
0xa8: {  	s4 =	sshll.u32 s28, $0x1;
	[dreg:$0x2] =	wrdreg s2  }
0xa9: {  	[dreg:$0x3] =	wrdreg s4  }
0xaa: {  	[dreg:$0x4] =	wrdreg $0xC0  }
0xab: {  	_ =	task [dreg:s6], $0x5FFFF  }
0xac: {  	[dreg:$0x1] =	wrdreg $0xFFFFFFFF  }
0xad: {  	[dreg:$0x0] =	wrdreg $0x60  }
0xae: {  	[dreg:$0x2] =	wrdreg s24  }
0xaf: {  	[dreg:$0x3] =	wrdreg $0x0  }
0xb0: {  	[dreg:$0x4] =	wrdreg $0x9  }
0xb1: {  	_ =	task.clear_ibuf [dreg:s6], $0x5FFFF;
	_ =	strace $0x90000049  }
0xb2: {  	s29 =	simm.s32 $0x9;
	_ =	strace $0x8000004B  }
0xb3: {  	_ =	swait.ge [sflag:s29], $0x1  }
0xb4: {  	[sflag:s29] =	ssyncadd.s32 $0xFFFFFFFF  }
0xb5: {  	_ =	strace $0x9000004B  }
0xb6: {  	_ =	sfence  }
0xb7: {  	s30 =	sld [smem:$0x0];
	_ =	sdelay $0x2  }
0xb8: {  	s31 =	sshll.u32 s1, $0xD;
	s1 =	sshrl.u32 s1, $0x2  }
0xb9: {  	s3 =	sand.u32 $0x4000, s31;
	s1 =	sadd.s32 s1, s30  }
0xba: {  	s0 =	sor.u32 s3, s0;
	s1 =	sshll.u32 s1, $0x11  }
0xbb: {  	s0 =	sor.u32 s1, s0  }
0xbc: {  	s0 =	sadd.s32 $0x8F2B, s0  }
0xbd: {  	[sflag:s0] =	ssyncadd.remote.s32 $0x1  }
0xbe: {  	_ =	sfence.sel $0xFFFF  }
0xbf: {  	[dreg:$0x0] =	wrdreg $0xFFFFFFFF;
	(pc) =	sbr.abs _section_cstart, $3  }
0xc0: {  	[dreg:$0x1] =	wrdreg $0xFFFFFFFF  }
0xc1: {  	_ =	task.clear_ibuf [dreg:s6], $0x2FFFF;
	_ =	strace $0x9FFFFFFF  }
0xc2: {  	(tm) =	ssettm $0x7FFFFFFF  }
0xc3: {  	_ =	shalt  }
tec
execute0_lowered:
.L_overlay_start_1:
0x0: {  	(tag) =	ssettag $0x1  }
0x1: {  	s0 =	rddreg [dreg:$0x0]  }
0x2: {  	s1 =	rddreg [dreg:$0x1];
	s2 =	srdreg.scid  }
0x3: {  	s14 =	simm.s32 $0x0;
	s7 =	stileid.u32;
	s17 =	simm.s32 $0x20  }
0x4: {  	s18 =	simm.s32 $0x18000;
	s20 =	simm.s32 $0x19000;
	s29 =	simm.s32 $0x1D000  }
0x5: {  	s31 =	simm.s32 $0x1E000;
	s9 =	simm.s32 $0x1;
	s11 =	simm.s32 $0x2  }
0x6: {  	s12 =	simm.s32 $0x3;
	s10 =	simm.s32 $0x4;
	s13 =	simm.s32 $0x5  }
0x7: {  	s16 =	simm.s32 $0x7;
	s19 =	simm.s32 $0x8;
	s28 =	simm.s32 $0xC  }
0x8: {  	s30 =	simm.s32 $0xD;
	s2 =	sand.u32 $0x1, s2;
	s5 =	smul.u32 $0x14000, s7  }
0x9: {  	[smem:$0x7FF] =	sst s14;
	s4 =	sadd.s32 $0x29600, s0;
	s21 =	smul.u32 $0x50000, s7  }
0xa: {  	s6 =	sadd.s32 $0x1600, s0;
	s23 =	smul.u32 $0x2800, s7;
	s8 =	sadd.s32 $0x79600, s0  }
0xb: {  	s3 =	smul.u32 $0x140000, s2;
	_ =	strace $0x8000004A;
	[dreg:$0x5] =	wrdreg s4  }
0xc: {  	s25 =	sshll.u32 s7, $0x6;
	[dreg:$0x6] =	wrdreg s6;
	s22 =	smul.u32 $0x28000, s2  }
0xd: {  	s2 =	ssub.s32 $0x2, s2;
	s7 =	sor.u32 $0x1C11, s25;
	s25 =	simm.s32 $0xB  }
0xe: {  	[dreg:$0x4] =	wrdreg s5;
	s24 =	sshrl.u32 s2, $0x1;
	s4 =	sshrl.u32 s21, $0x2  }
0xf: {  	s21 =	simm.s32 $0x9;
	[dreg:$0x9] =	wrdreg s7;
	s5 =	sadd.s32 s3, s5  }
0x10: {  	s2 =	ssub.s32 s2, s24;
	s3 =	sadd.s32 s23, s22;
	s4 =	sadd.s32 s4, s1  }
0x11: {  	s22 =	simm.s32 $0x1A000;
	s24 =	simm.s32 $0x1B000;
	s23 =	simm.s32 $0xA  }
0x12: {  	[dreg:$0x7] =	wrdreg s5;
	s5 =	sshrl.u32 s5, $0x3;
	s3 =	sadd.s32 s8, s3  }
.Ltmp0:
0x13: {  	s26 =	smax.u32 s2, $0x1;
	s15 =	sshrl.u32 s4, $0x3;
	(pc) =	sbr.rel .LBB2_1-.Ltmp0, $4  }
0x14: {  	s2 =	simm.s32 $0x1F000;
	s4 =	simm.s32 $0xF;
	[dreg:$0x8] =	wrdreg s3  }
0x15: {  	s0 =	sadd.s32 s5, s0;
	[dreg:$0xb] =	wrdreg s26;
	s26 =	simm.s32 $0x1C000  }
0x16: {  	s3 =	simm.s32 $0x6;
	[dreg:$0xc] =	wrdreg s15;
	s0 =	sadd.s32 $0xC9600, s0  }
0x17: {  	s5 =	simm.s32 $0x10;
	[dreg:$0xa] =	wrdreg s0;
	s0 =	simm.s32 $0xE  }
.LBB2_6:
0x18: {  	[bflag:$0x0] =	sbarrier.arrive $0xFFFF  }
0x19: {  	s7 =	rddreg [dreg:$0x9]  }
0x1a: {  	s6 =	rddreg [dreg:$0xa]  }
0x1b: {  	s15 =	rddreg [dreg:$0xc]  }
0x1c: {  	[hbm:s6], [sflag:s7] =	dma.local [spmem:s15], $0x2800  }
0x1d: {  	s6 =	simm.s32 $0x11  }
0x1e: {  	_ =	swait.ge [sflag:s6], $0x2800  }
0x1f: {  	s14 =	rddreg [dreg:$0x3]  }
0x20: {  	[sflag:s6] =	ssyncset.done $0x0;
	s6 =	rddreg [dreg:$0xb];
	s14 =	sadd.s32 $0x1, s14  }
0x21: {  	p0 =	sne.s32 s14, s6  }
.Ltmp1:
0x22: {  	_ = 	snop;
	(pc) =	sbr.rel @!p0 .LBB2_7-.Ltmp1, $3  }
0x23: {  	_ =	sdelay $0x1  }
0x24: {  	s6 =	simm.s32 $0x11  }
0x25: {  	[sflag:s6] =	ssyncadd.s32 $0xFFFFD800  }
.LBB2_1:
0x26: {  	[dreg:$0x3] =	wrdreg s14  }
0x27: {  	s14 =	simm.s32 $0x11;
	s6 =	rddreg [dreg:$0x8]  }
0x28: {  	[spmem:s15], [sflag:s7] =	dma.local [hbm:s6], $0x2800  }
.Ltmp2:
0x29: {  	_ =	swait.ge [sflag:s14], $0x2800;
	(pc) =	sbr.rel .LBB2_2-.Ltmp2, $4  }
0x2a: {  	[sflag:s14] =	ssyncset.done $0x0  }
0x2b: {  	[sflag:s14] =	ssyncadd.s32 $0xFFFFD800  }
0x2c: {  	[bflag:$0x0] =	sbarrier.arrive $0xFFFF  }
0x2d: {  	s6 =	simm.s32 $0x0  }
.LBB2_5:
0x2e: {  	_ =	swait.ge [sflag:s23], $0x1000  }
0x2f: {  	[sflag:s23] =	ssyncset.done $0x0  }
0x30: {  	[sflag:s23] =	ssyncadd.s32 $0xFFFFF000  }
0x31: {  	_ =	swait.ge [sflag:s25], $0x1000  }
0x32: {  	[sflag:s25] =	ssyncset.done $0x0  }
0x33: {  	[sflag:s25] =	ssyncadd.s32 $0xFFFFF000  }
0x34: {  	_ =	swait.ge [sflag:s28], $0x1000  }
0x35: {  	[sflag:s28] =	ssyncset.done $0x0  }
0x36: {  	[sflag:s28] =	ssyncadd.s32 $0xFFFFF000  }
0x37: {  	_ =	swait.ge [sflag:s30], $0x1000  }
0x38: {  	[sflag:s30] =	ssyncset.done $0x0  }
0x39: {  	[sflag:s30] =	ssyncadd.s32 $0xFFFFF000  }
0x3a: {  	_ =	swait.ge [sflag:s0], $0x1000  }
0x3b: {  	[sflag:s0] =	ssyncset.done $0x0  }
0x3c: {  	[sflag:s0] =	ssyncadd.s32 $0xFFFFF000  }
0x3d: {  	_ =	swait.ge [sflag:s4], $0x1000  }
0x3e: {  	[sflag:s4] =	ssyncset.done $0x0  }
0x3f: {  	[sflag:s4] =	ssyncadd.s32 $0xFFFFF000  }
0x40: {  	_ =	swait.ge [sflag:s5], $0x1000  }
0x41: {  	s6 =	rddreg [dreg:$0xd]  }
0x42: {  	s6 =	sadd.s32 $0x1, s6  }
0x43: {  	p0 =	sne.s32 s6, $0xA  }
.Ltmp3:
0x44: {  	_ = 	snop;
	(pc) =	sbr.rel @!p0 .LBB2_6-.Ltmp3, $3  }
0x45: {  	_ =	sdelay $0x1  }
0x46: {  	[sflag:s5] =	ssyncset.done $0x0  }
0x47: {  	[sflag:s5] =	ssyncadd.s32 $0xFFFFF000  }
.LBB2_2:
0x48: {  	s15 =	sshll.u32 s6, $0xD;
	s7 =	rddreg [dreg:$0x7]  }
0x49: {  	[dreg:$0xd] =	wrdreg s6;
	s7 =	sadd.s32 s7, s15  }
0x4a: {  	s14 =	rddreg [dreg:$0x5];
	s7 =	sshrl.u32 s7, $0x3  }
0x4b: {  	s6 =	simm.s32 $0x14000;
	s14 =	sadd.s32 s14, s7;
	s7 =	simm.s32 $0x0  }
0x4c: {  	[tilespmem:s6], [sflag:$0x11] =	stream.linear.gather [hbm4b:s14+s7], $0x2000, $0x38;
	v63 =	vld [tilespmem:$0x0]  }
0x4d: {  	s6 =	simm.s32 $0x11  }
0x4e: {  	_ =	swait.ge [sflag:s6], $0x2000  }
0x4f: {  	s14 =	rddreg [dreg:$0x4]  }
0x50: {  	s14 =	sadd.s32 s14, s15  }
0x51: {  	[sflag:s6] =	ssyncset.done $0x0;
	s15 =	rddreg [dreg:$0x6];
	s14 =	sshrl.u32 s14, $0x3  }
0x52: {  	[sflag:s6] =	ssyncadd.s32 $0xFFFFE000;
	s14 =	sadd.s32 s15, s14;
	s15 =	simm.s32 $0x16000  }
0x53: {  	[tilespmem:s15], [sflag:$0x11] =	stream.linear.gather [hbm4b:s14+s7], $0x2000, $0x38;
	v63 =	vld [tilespmem:$0x0]  }
0x54: {  	_ =	swait.ge [sflag:s6], $0x2000  }
0x55: {  	[sflag:s6] =	ssyncset.done $0x0  }
0x56: {  	s14 =	simm.s32 $0x14000;
	[sflag:s6] =	ssyncadd.s32 $0xFFFFE000  }
0x57: {  	[tilespmem:s18], [sflag:$0x1] =	stream.indirect.gather [hbm4b:s8+s17], $0x80, s14, s17, $0xb8;
	v63 =	vld [tilespmem:$0x0]  }
0x58: {  	s15 =	simm.s32 $0x14080  }
0x59: {  	[tilespmem:s20], [sflag:$0x2] =	stream.indirect.gather [hbm4b:s8+s17], $0x80, s15, s17, $0xb8;
	v63 =	vld [tilespmem:$0x0]  }
0x5a: {  	s14 =	simm.s32 $0x14100  }
0x5b: {  	[tilespmem:s22], [sflag:$0x3] =	stream.indirect.gather [hbm4b:s8+s17], $0x80, s14, s17, $0xb8;
	v63 =	vld [tilespmem:$0x0]  }
0x5c: {  	s15 =	simm.s32 $0x14180  }
0x5d: {  	[tilespmem:s24], [sflag:$0x4] =	stream.indirect.gather [hbm4b:s8+s17], $0x80, s15, s17, $0xb8;
	v63 =	vld [tilespmem:$0x0]  }
0x5e: {  	s14 =	simm.s32 $0x14200  }
0x5f: {  	[tilespmem:s26], [sflag:$0x5] =	stream.indirect.gather [hbm4b:s8+s17], $0x80, s14, s17, $0xb8;
	v63 =	vld [tilespmem:$0x0]  }
0x60: {  	s15 =	simm.s32 $0x14280  }
0x61: {  	[tilespmem:s29], [sflag:$0x6] =	stream.indirect.gather [hbm4b:s8+s17], $0x80, s15, s17, $0xb8;
	v63 =	vld [tilespmem:$0x0]  }
0x62: {  	s14 =	simm.s32 $0x14300  }
0x63: {  	[tilespmem:s31], [sflag:$0x7] =	stream.indirect.gather [hbm4b:s8+s17], $0x80, s14, s17, $0xb8;
	v63 =	vld [tilespmem:$0x0]  }
0x64: {  	s15 =	simm.s32 $0x14380  }
0x65: {  	[tilespmem:s2], [sflag:$0x8] =	stream.indirect.gather [hbm4b:s8+s17], $0x80, s15, s17, $0xb8;
	v63 =	vld [tilespmem:$0x0]  }
.LBB2_3:
0x66: {  	_ =	swait.ge [sflag:s9], $0x1000  }
0x67: {  	s15 =	sshra.s32 s7, $0x2;
	[sflag:s9] =	ssyncset.done $0x0  }
0x68: {  	s14 =	sadd.s32 $0x16000, s15;
	[sflag:s9] =	ssyncadd.s32 $0xFFFFF000  }
0x69: {  	[spmem:s1] =	stream.indirect.scatter.add.f32 [tilespmem:s18], [sflag:$0x9], $0x80, s14, s17, $0xb8;
	v63 =	vld [tilespmem:$0x0]  }
0x6a: {  	_ =	swait.ge [sflag:s11], $0x1000  }
0x6b: {  	[sflag:s11] =	ssyncset.done $0x0  }
0x6c: {  	s6 =	sadd.s32 $0x16080, s15;
	[sflag:s11] =	ssyncadd.s32 $0xFFFFF000  }
0x6d: {  	[spmem:s1] =	stream.indirect.scatter.add.f32 [tilespmem:s20], [sflag:$0xA], $0x80, s6, s17, $0xb8;
	v63 =	vld [tilespmem:$0x0]  }
0x6e: {  	_ =	swait.ge [sflag:s12], $0x1000  }
0x6f: {  	[sflag:s12] =	ssyncset.done $0x0  }
0x70: {  	s6 =	sadd.s32 $0x16100, s15;
	[sflag:s12] =	ssyncadd.s32 $0xFFFFF000  }
0x71: {  	[spmem:s1] =	stream.indirect.scatter.add.f32 [tilespmem:s22], [sflag:$0xB], $0x80, s6, s17, $0xb8;
	v63 =	vld [tilespmem:$0x0]  }
0x72: {  	_ =	swait.ge [sflag:s10], $0x1000  }
0x73: {  	[sflag:s10] =	ssyncset.done $0x0  }
0x74: {  	s6 =	sadd.s32 $0x16180, s15;
	[sflag:s10] =	ssyncadd.s32 $0xFFFFF000  }
0x75: {  	[spmem:s1] =	stream.indirect.scatter.add.f32 [tilespmem:s24], [sflag:$0xC], $0x80, s6, s17, $0xb8;
	v63 =	vld [tilespmem:$0x0]  }
0x76: {  	_ =	swait.ge [sflag:s13], $0x1000  }
0x77: {  	[sflag:s13] =	ssyncset.done $0x0  }
0x78: {  	s6 =	sadd.s32 $0x16200, s15;
	[sflag:s13] =	ssyncadd.s32 $0xFFFFF000  }
0x79: {  	[spmem:s1] =	stream.indirect.scatter.add.f32 [tilespmem:s26], [sflag:$0xD], $0x80, s6, s17, $0xb8;
	v63 =	vld [tilespmem:$0x0]  }
0x7a: {  	_ =	swait.ge [sflag:s3], $0x1000  }
0x7b: {  	[sflag:s3] =	ssyncset.done $0x0  }
0x7c: {  	s6 =	sadd.s32 $0x16280, s15;
	[sflag:s3] =	ssyncadd.s32 $0xFFFFF000  }
0x7d: {  	[spmem:s1] =	stream.indirect.scatter.add.f32 [tilespmem:s29], [sflag:$0xE], $0x80, s6, s17, $0xb8;
	v63 =	vld [tilespmem:$0x0]  }
0x7e: {  	_ =	swait.ge [sflag:s16], $0x1000  }
0x7f: {  	[sflag:s16] =	ssyncset.done $0x0  }
0x80: {  	s6 =	sadd.s32 $0x16300, s15;
	[sflag:s16] =	ssyncadd.s32 $0xFFFFF000  }
0x81: {  	[spmem:s1] =	stream.indirect.scatter.add.f32 [tilespmem:s31], [sflag:$0xF], $0x80, s6, s17, $0xb8;
	v63 =	vld [tilespmem:$0x0]  }
0x82: {  	_ =	swait.ge [sflag:s19], $0x1000  }
0x83: {  	p0 =	seq.s32 s7, $0x7000;
	[sflag:s19] =	ssyncset.done $0x0  }
.Ltmp4:
0x84: {  	s6 =	sadd.s32 $0x16380, s15;
	[sflag:s19] =	ssyncadd.s32 $0xFFFFF000;
	(pc) =	sbr.rel @p0 .LBB2_5-.Ltmp4, $4  }
0x85: {  	[spmem:s1] =	stream.indirect.scatter.add.f32 [tilespmem:s2], [sflag:$0x10], $0x80, s6, s17, $0xb8;
	v63 =	vld [tilespmem:$0x0]  }
0x86: {  	_ =	swait.ge [sflag:s21], $0x1000  }
0x87: {  	[sflag:s21] =	ssyncset.done $0x0  }
0x88: {  	[sflag:s21] =	ssyncadd.s32 $0xFFFFF000  }
0x89: {  	s14 =	sadd.s32 $0x14400, s15  }
0x8a: {  	[tilespmem:s18], [sflag:$0x1] =	stream.indirect.gather [hbm4b:s8+s17], $0x80, s14, s17, $0xb8;
	v63 =	vld [tilespmem:$0x0]  }
0x8b: {  	_ =	swait.ge [sflag:s23], $0x1000  }
0x8c: {  	[sflag:s23] =	ssyncset.done $0x0  }
0x8d: {  	s6 =	sadd.s32 $0x14480, s15;
	[sflag:s23] =	ssyncadd.s32 $0xFFFFF000  }
0x8e: {  	[tilespmem:s20], [sflag:$0x2] =	stream.indirect.gather [hbm4b:s8+s17], $0x80, s6, s17, $0xb8;
	v63 =	vld [tilespmem:$0x0]  }
0x8f: {  	_ =	swait.ge [sflag:s25], $0x1000  }
0x90: {  	[sflag:s25] =	ssyncset.done $0x0  }
0x91: {  	s6 =	sadd.s32 $0x14500, s15;
	[sflag:s25] =	ssyncadd.s32 $0xFFFFF000  }
0x92: {  	[tilespmem:s22], [sflag:$0x3] =	stream.indirect.gather [hbm4b:s8+s17], $0x80, s6, s17, $0xb8;
	v63 =	vld [tilespmem:$0x0]  }
0x93: {  	_ =	swait.ge [sflag:s28], $0x1000  }
0x94: {  	[sflag:s28] =	ssyncset.done $0x0  }
0x95: {  	s6 =	sadd.s32 $0x14580, s15;
	[sflag:s28] =	ssyncadd.s32 $0xFFFFF000  }
0x96: {  	[tilespmem:s24], [sflag:$0x4] =	stream.indirect.gather [hbm4b:s8+s17], $0x80, s6, s17, $0xb8;
	v63 =	vld [tilespmem:$0x0]  }
0x97: {  	_ =	swait.ge [sflag:s30], $0x1000  }
0x98: {  	[sflag:s30] =	ssyncset.done $0x0  }
0x99: {  	s6 =	sadd.s32 $0x14600, s15;
	[sflag:s30] =	ssyncadd.s32 $0xFFFFF000  }
0x9a: {  	[tilespmem:s26], [sflag:$0x5] =	stream.indirect.gather [hbm4b:s8+s17], $0x80, s6, s17, $0xb8;
	v63 =	vld [tilespmem:$0x0]  }
0x9b: {  	_ =	swait.ge [sflag:s0], $0x1000  }
0x9c: {  	[sflag:s0] =	ssyncset.done $0x0  }
0x9d: {  	s6 =	sadd.s32 $0x14680, s15;
	[sflag:s0] =	ssyncadd.s32 $0xFFFFF000  }
0x9e: {  	[tilespmem:s29], [sflag:$0x6] =	stream.indirect.gather [hbm4b:s8+s17], $0x80, s6, s17, $0xb8;
	v63 =	vld [tilespmem:$0x0]  }
0x9f: {  	_ =	swait.ge [sflag:s4], $0x1000  }
0xa0: {  	[sflag:s4] =	ssyncset.done $0x0  }
0xa1: {  	s6 =	sadd.s32 $0x14700, s15;
	[sflag:s4] =	ssyncadd.s32 $0xFFFFF000  }
0xa2: {  	[tilespmem:s31], [sflag:$0x7] =	stream.indirect.gather [hbm4b:s8+s17], $0x80, s6, s17, $0xb8;
	v63 =	vld [tilespmem:$0x0]  }
.Ltmp5:
0xa3: {  	_ = 	snop;
	(pc) =	sbr.rel .LBB2_3-.Ltmp5, $4  }
0xa4: {  	_ =	swait.ge [sflag:s5], $0x1000  }
0xa5: {  	[sflag:s5] =	ssyncset.done $0x0  }
0xa6: {  	s7 =	sadd.s32 $0x1000, s7;
	s15 =	sadd.s32 $0x14780, s15;
	[sflag:s5] =	ssyncadd.s32 $0xFFFFF000  }
0xa7: {  	[tilespmem:s2], [sflag:$0x8] =	stream.indirect.gather [hbm4b:s8+s17], $0x80, s15, s17, $0xb8;
	v63 =	vld [tilespmem:$0x0]  }
.LBB2_7:
0xa8: {  	_ =	sfence.sel $0x180000  }
0xa9: {  	[bflag:$0x0] =	sbarrier.arrive $0xFFFF  }
0xaa: {  	_ =	strace $0x9000004A  }
0xab: {  	s0 =	stileid.u32;
	[bflag:$0x2] =	sbarrier.arrive $0xFFFF  }
0xac: {  	p0 =	sne.s32 s0, $0x0;
	s0 =	rddreg [dreg:$0x2]  }
0xad: {  	s0 =	sadd.s32 @!p0 $0x100000, s0  }
0xae: {  	[sflag:s0] =	ssyncadd.tile.s32 @!p0 $0x1;
	_ =	shalt  }
.Lfunc_end2:
_tile_overlayer_lowered:
.L_overlay_start_2:
0xaf: {  	(tag) =	ssettag $0x2  }
0xb0: {  	s0 =	rddreg [dreg:$0x0];
	s2 =	stileid.u32  }
0xb1: {  	s1 =	rddreg [dreg:$0x1];
	p0 =	sne.s32 s2, $0x0  }
0xb2: {  	s3 =	rddreg [dreg:$0x2];
	[bflag:$0x3] =	sbarrier.arrive $0xFFFF;
	s2 =	simm.s32 @!p0 $0x1C11  }
0xb3: {  	[timem:s3], [sflag:s2] =	dma.local @!p0 [hbm:s0], s1  }
0xb4: {  	s0 =	simm.s32 @!p0 $0x11  }
0xb5: {  	_ =	swait.ge @!p0 [sflag:s0], s1  }
0xb6: {  	s1 =	ssub.s32 @!p0 $0x0, s1;
	[sflag:s0] =	ssyncset.done @!p0 $0x0  }
0xb7: {  	[sflag:s0] =	ssyncadd.s32 @!p0 s1  }
0xb8: {  	[bflag:$0x3] =	sbarrier.arrive $0xFFFF  }
0xb9: {  	_ =	shalt  }

</sc_bundles>
